<compile_context>
chip_gen: v7x
topology: tpu7x:2x2x1
jax: 0.10.2.dev20260603
libtpu: 0.0.44.dev20260713+nightly
codegen_flags: <defaults>
</compile_context>

<pallas_src>
import functools

import jax
import jax.numpy as jnp
from jax import lax
from jax.experimental import pallas as pl
from jax.experimental.pallas import tpu as pltpu
from jax.experimental.pallas import tpu_sc as plsc

N_NODES = 10000
D = 128
N_PAD = 10240
NC, NS = 2, 16
NW = NC * NS
CHUNK = 128
ROWS_PER_SUB = N_PAD // NS
ZR = 64
PAD_SRC = N_NODES
PAD_DST = N_NODES + 8

_MESH = plsc.VectorSubcoreMesh(core_axis_name="c", subcore_axis_name="s")


def _sc_degree(dst3):
    n_chunks = dst3.shape[1]

    @functools.partial(
        pl.kernel,
        out_type=jax.ShapeDtypeStruct((NC, N_PAD), jnp.float32),
        mesh=_MESH,
        compiler_params=pltpu.CompilerParams(needs_layout_passes=False),
        scratch_types=[
            pltpu.VMEM_SHARED((NS, N_PAD), jnp.float32),
            pltpu.VMEM((n_chunks, CHUNK), jnp.int32),
            pltpu.VMEM((N_PAD,), jnp.float32),
            pltpu.VMEM((NS, ROWS_PER_SUB), jnp.float32),
        ],
    )
    def k(dst3_hbm, degp_hbm, slab, idx_v, hist_v, win_v):
        c = lax.axis_index("c")
        s = lax.axis_index("s")
        wid = c * NS + s

        def fill_zeros(i, _):
            hist_v[pl.ds(i * 16, 16)] = jnp.zeros((16,), jnp.float32)
            return 0

        lax.fori_loop(0, N_PAD // 16, fill_zeros, 0)
        pltpu.sync_copy(dst3_hbm.at[wid], idx_v)
        ones16 = jnp.full((16,), 1.0, jnp.float32)

        def body(j, _):
            def inner(t, _):
                idx = idx_v[j, pl.ds(t * 16, 16)]
                plsc.addupdate_scatter(hist_v, [idx], ones16)
                return 0

            lax.fori_loop(0, CHUNK // 16, inner, 0)
            return 0

        lax.fori_loop(0, n_chunks, body, 0)
        pltpu.sync_copy(hist_v, slab.at[s])
        plsc.subcore_barrier()
        pltpu.sync_copy(slab.at[:, pl.ds(s * ROWS_PER_SUB, ROWS_PER_SUB)],
                        win_v)

        def red(j, _):
            acc = jnp.zeros((16,), jnp.float32)

            def radd(i, a):
                return a + win_v[i, pl.ds(j * 16, 16)]

            acc = lax.fori_loop(0, NS, radd, acc)
            hist_v[pl.ds(j * 16, 16)] = acc
            return 0

        lax.fori_loop(0, ROWS_PER_SUB // 16, red, 0)
        pltpu.sync_copy(hist_v.at[pl.ds(0, ROWS_PER_SUB)],
                        degp_hbm.at[c, pl.ds(s * ROWS_PER_SUB, ROWS_PER_SUB)])

    return k(dst3)


def _sc_propagate(src3, dst3, v_pad):
    n_chunks = src3.shape[1]

    @functools.partial(
        pl.kernel,
        out_type=jax.ShapeDtypeStruct((NC, N_PAD, D), jnp.float32),
        mesh=_MESH,
        scratch_types=[
            pltpu.VMEM_SHARED((N_PAD, D), jnp.float32),
            pltpu.VMEM((n_chunks, CHUNK), jnp.int32),
            pltpu.VMEM((n_chunks, CHUNK), jnp.int32),
            pltpu.VMEM((ZR, D), jnp.float32),
            pltpu.VMEM((CHUNK, D), jnp.float32),
            pltpu.SemaphoreType.DMA,
        ],
    )
    def k(src3_hbm, dst3_hbm, v_hbm, part_hbm, acc, src_v, dst_v, zeros_v,
          rows_v, sem_g):
        c = lax.axis_index("c")
        s = lax.axis_index("s")
        wid = c * NS + s

        def fill_zeros(i, _):
            zeros_v[i // 8, pl.ds((i % 8) * 16, 16)] = jnp.zeros(
                (16,), jnp.float32)
            return 0

        lax.fori_loop(0, ZR * D // 16, fill_zeros, 0)

        def zero_stripe(i, _):
            pltpu.sync_copy(zeros_v,
                            acc.at[pl.ds(s * ROWS_PER_SUB + i * ZR, ZR)])
            return 0

        lax.fori_loop(0, ROWS_PER_SUB // ZR, zero_stripe, 0)
        plsc.subcore_barrier()

        pltpu.sync_copy(src3_hbm.at[wid], src_v)
        pltpu.sync_copy(dst3_hbm.at[wid], dst_v)

        def body(j, _):
            pltpu.async_copy(v_hbm.at[src_v.at[j]], rows_v, sem_g).wait()
            pltpu.sync_copy(rows_v, acc.at[dst_v.at[j]], add=True)
            return 0

        lax.fori_loop(0, n_chunks, body, 0)
        plsc.subcore_barrier()
        pltpu.sync_copy(acc.at[pl.ds(s * ROWS_PER_SUB, ROWS_PER_SUB)],
                        part_hbm.at[c, pl.ds(s * ROWS_PER_SUB, ROWS_PER_SUB)])

    return k(src3, dst3, v_pad)


def _dinv_block(degT_ref, row0, rows, check_valid=True):
    deg = degT_ref[:, 0:1] + degT_ref[:, 1:2]
    dv = lax.rsqrt(deg)
    ok = deg > 0
    if check_valid:
        ridx = row0 + lax.broadcasted_iota(jnp.int32, (rows, 1), 0)
        ok = ok & (ridx < N_NODES)
    return jnp.where(ok, dv, 0.0)


def _tc_scale_x(degT, x_pad):
    BR = 256

    def body(degT_ref, x_ref, xs_ref):
        i = pl.program_id(0)
        dv = _dinv_block(degT_ref, i * BR, BR)
        xs_ref[...] = dv * x_ref[...]

    return pl.pallas_call(
        body,
        grid=(N_PAD // BR,),
        in_specs=[pl.BlockSpec((BR, 2), lambda i: (i, 0)),
                  pl.BlockSpec((BR, D), lambda i: (i, 0))],
        out_specs=pl.BlockSpec((BR, D), lambda i: (i, 0)),
        out_shape=jax.ShapeDtypeStruct((N_PAD, D), jnp.float32),
    )(degT, x_pad)


def _tc_mlp(degT, s1, W1, b1r, W2):
    BR = 256

    def body(degT_ref, s1_ref, W1_ref, b1_ref, W2_ref, gs_ref):
        i = pl.program_id(0)
        dv = _dinv_block(degT_ref, i * BR, BR)
        t = dv * (s1_ref[0] + s1_ref[1])
        h = jnp.dot(t, W1_ref[...], preferred_element_type=jnp.float32)
        h = jnp.maximum(h + b1_ref[...], 0.0)
        g = jnp.dot(h, W2_ref[...], preferred_element_type=jnp.float32)
        gs_ref[...] = dv * g

    d1 = W1.shape[1]
    return pl.pallas_call(
        body,
        grid=(N_PAD // BR,),
        in_specs=[pl.BlockSpec((BR, 2), lambda i: (i, 0)),
                  pl.BlockSpec((NC, BR, D), lambda i: (0, i, 0)),
                  pl.BlockSpec(W1.shape, lambda i: (0, 0)),
                  pl.BlockSpec((1, d1), lambda i: (0, 0)),
                  pl.BlockSpec(W2.shape, lambda i: (0, 0))],
        out_specs=pl.BlockSpec((BR, D), lambda i: (i, 0)),
        out_shape=jax.ShapeDtypeStruct((N_PAD, D), jnp.float32),
    )(degT, s1, W1, b1r, W2)


def _tc_final(degT, s2, b2r):
    BR = 2000

    def body(degT_ref, s2_ref, b2_ref, out_ref):
        dv = _dinv_block(degT_ref, 0, BR, check_valid=False)
        out_ref[...] = jnp.maximum(dv * (s2_ref[0] + s2_ref[1]) + b2_ref[...],
                                   0.0)

    return pl.pallas_call(
        body,
        grid=(N_NODES // BR,),
        in_specs=[pl.BlockSpec((BR, 2), lambda i: (i, 0)),
                  pl.BlockSpec((NC, BR, D), lambda i: (0, i, 0)),
                  pl.BlockSpec((1, D), lambda i: (0, 0))],
        out_specs=pl.BlockSpec((BR, D), lambda i: (i, 0)),
        out_shape=jax.ShapeDtypeStruct((N_NODES, D), jnp.float32),
    )(degT, s2, b2r)


def kernel(x, edge_index, W1, b1, W2, b2):
    loop = jnp.arange(N_NODES, dtype=jnp.int32)
    src = jnp.concatenate([edge_index[0].astype(jnp.int32), loop])
    dst = jnp.concatenate([edge_index[1].astype(jnp.int32), loop])
    e_tot = src.shape[0]
    per = NW * CHUNK
    e_pad = per * ((e_tot + per - 1) // per)
    src3 = (jnp.full((e_pad,), PAD_SRC, jnp.int32).at[:e_tot].set(src)
            .reshape(NW, -1, CHUNK))
    dst3 = (jnp.full((e_pad,), PAD_DST, jnp.int32).at[:e_tot].set(dst)
            .reshape(NW, -1, CHUNK))
    x_pad = jnp.zeros((N_PAD, D), jnp.float32).at[:N_NODES].set(
        x.astype(jnp.float32))

    degp = _sc_degree(dst3)
    degT = jnp.transpose(degp)
    xs = _tc_scale_x(degT, x_pad)
    s1 = _sc_propagate(src3, dst3, xs)
    gs = _tc_mlp(degT, s1, W1.astype(jnp.float32),
                 b1.reshape(1, -1).astype(jnp.float32),
                 W2.astype(jnp.float32))
    s2 = _sc_propagate(src3, dst3, gs)
    out = _tc_final(degT, s2, b2.reshape(1, -1).astype(jnp.float32))
    return out

# --- scband reference (transcript-rebuilt; emitter-appended) ---
"""Pipeline reference for scband-grace-49538152792175 (READ-ONLY COPY).

The authoritative reference and input builder live on the scoring server;
editing this copy changes nothing except your own understanding.
"""

import jax, jax.numpy as jnp
import numpy as np

N = 10000
E = 320000
D_IN = 128
HIDDEN = 128
D1 = 2 * HIDDEN  # first GCN layer output width


def setup_inputs(seed: int = 0) -> dict:
    key = jax.random.key(seed)
    k1, k2, k3, k4, k5, k6 = jax.random.split(key, 6)
    x = jax.random.normal(k1, (N, D_IN), dtype=jnp.float32)
    edge_index = jax.random.randint(k2, (2, E), 0, N, dtype=jnp.int32)
    W1 = jax.random.normal(k3, (D_IN, D1), dtype=jnp.float32) * (1.0 / np.sqrt(D_IN))
    b1 = jnp.zeros((D1,), dtype=jnp.float32)
    W2 = jax.random.normal(k4, (D1, HIDDEN), dtype=jnp.float32) * (1.0 / np.sqrt(D1))
    b2 = jnp.zeros((HIDDEN,), dtype=jnp.float32)
    return {"x": x, "edge_index": edge_index, "W1": W1, "b1": b1, "W2": W2, "b2": b2}


def _gcn_conv(x, W, b, src, dst, n):
    # PyG-style GCNConv: h = X W; out = D^{-1/2} A_hat D^{-1/2} h + b
    h = x @ W
    deg = jnp.zeros((n,), dtype=x.dtype).at[dst].add(1.0)
    dinv = jnp.where(deg > 0, jax.lax.rsqrt(deg), 0.0)
    norm = dinv[src] * dinv[dst]
    msg = jnp.take(h, src, axis=0) * norm[:, None]
    out = jnp.zeros((n, h.shape[1]), dtype=x.dtype).at[dst].add(msg)
    return out + b


def reference(x, edge_index, W1, b1, W2, b2):
    # GRACEEncoder with k=2 GCNConv layers (self-loops added as in PyG GCNConv)
    loop = jnp.arange(N, dtype=edge_index.dtype)
    src = jnp.concatenate([edge_index[0], loop])
    dst = jnp.concatenate([edge_index[1], loop])
    h = jax.nn.relu(_gcn_conv(x, W1, b1, src, dst, N))
    h = jax.nn.relu(_gcn_conv(h, W2, b2, src, dst, N))
    return h

if __name__ == "__main__":
    import jax
    _d = setup_inputs()
    print(jax.jit(kernel)(*tuple(_d.values())))

</pallas_src>

<mosaic_0001>
#map = affine_map<(d0, d1) -> (0, 0, 0)>
#map1 = affine_map<(d0, d1) -> (0, 0)>
module attributes {stable_mosaic.version = 14 : i64} {
  func.func @k(%arg0: i32, %arg1: i32, %arg2: memref<32x81x128xi32, #tpu.memory_space<hbm>>, %arg3: memref<2x10240xf32, #tpu.memory_space<hbm>>, %arg4: memref<16x10240xf32, #tpu.memory_space<vmem_shared>>, %arg5: memref<81x128xi32, #tpu.memory_space<vmem>>, %arg6: memref<10240xf32, #tpu.memory_space<vmem>>, %arg7: memref<16x640xf32, #tpu.memory_space<vmem>>) attributes {dimension_semantics = [#tpu.dimension_semantics<core_parallel>, #tpu.dimension_semantics<subcore_parallel>], iteration_bounds = array<i64: 2, 16>, scalar_prefetch = 0 : i64, scratch_operands = 4 : i64, tpu.core_type = #tpu.core_type<sc_vector_subcore>, window_params = [{transform_indices = #map}, {transform_indices = #map1}]} {
    %mul3A = arith.constant 16 : i32
    %mul3A_0 = arith.muli %arg0, %mul3A : i32
    %add3A = arith.addi %mul3A_0, %arg1 : i32
    %scan3A = arith.constant 0 : i32
    %scan3A_1 = arith.constant 0 : i32
    %scan3A_2 = arith.constant 640 : i32
    %scan3A_3 = arith.addi %scan3A_1, %scan3A_2 : i32
    %scan3A_4 = arith.constant 1 : i32
    %scan3A_5 = scf.for %scan3A_26 = %scan3A_1 to %scan3A_3 step %scan3A_4 iter_args(%scan3A_27 = %scan3A) -> (i32)  : i32 {
      %broadcast_in_dim3A_28 = arith.constant 0.000000e+00 : f32
      %broadcast_in_dim3A_29 = vector.broadcast %broadcast_in_dim3A_28 : f32 to vector<16xf32>
      %mul3A_30 = arith.constant 16 : i32
      %mul3A_31 = arith.muli %scan3A_26, %mul3A_30 : i32
      %swap3A = arith.index_cast %mul3A_31 : i32 to index
      %swap3A_32 = tpu.vector_load %arg6[%swap3A] {strides = array<i32>} : memref<10240xf32, #tpu.memory_space<vmem>>, vector<16xf32>,
      tpu.vector_store %arg6[%swap3A], %broadcast_in_dim3A_29 {strides = array<i32>} : memref<10240xf32, #tpu.memory_space<vmem>>, vector<16xf32>,
      %scan3A_33 = arith.constant 0 : i32
      scf.yield %scan3A_33 : i32
    }
    %scan3A_6 = arith.constant 640 : i32
    "tpu.region"() ({
      %run_scoped3A = tpu.sem_alloc : memref<!tpu.dma_semaphore, #tpu.memory_space<semaphore_mem>>
      %dma_start3A = arith.constant 0 : i32
      %dma_start3A_26 = arith.constant 0 : i32
      %dma_start3A_27 = tpu.memref_slice %arg2[%add3A, %dma_start3A, %dma_start3A_26] : memref<32x81x128xi32, #tpu.memory_space<hbm>> -> memref<1x81x128xi32, #tpu.memory_space<hbm>>
      %dma_start3A_28 = tpu.memref_squeeze %dma_start3A_27 : memref<1x81x128xi32, #tpu.memory_space<hbm>> -> memref<81x128xi32, #tpu.memory_space<hbm>>
      %dma_start3A_29 = arith.constant 0 : i32
      %dma_start3A_30 = arith.constant 0 : i32
      %dma_start3A_31 = tpu.memref_slice %arg2[%add3A, %dma_start3A_29, %dma_start3A_30] : memref<32x81x128xi32, #tpu.memory_space<hbm>> -> memref<1x81x128xi32, #tpu.memory_space<hbm>>
      %dma_start3A_32 = tpu.memref_squeeze %dma_start3A_31 : memref<1x81x128xi32, #tpu.memory_space<hbm>> -> memref<81x128xi32, #tpu.memory_space<hbm>>
      tpu.enqueue_dma source(%dma_start3A_32 : memref<81x128xi32, #tpu.memory_space<hbm>>) target(%arg5 : memref<81x128xi32, #tpu.memory_space<vmem>>) target_semaphore(%run_scoped3A : memref<!tpu.dma_semaphore, #tpu.memory_space<semaphore_mem>>)
      %dma_wait3A = arith.constant 0 : i32
      %dma_wait3A_33 = arith.constant 0 : i32
      %dma_wait3A_34 = tpu.memref_slice %arg2[%add3A, %dma_wait3A, %dma_wait3A_33] : memref<32x81x128xi32, #tpu.memory_space<hbm>> -> memref<1x81x128xi32, #tpu.memory_space<hbm>>
      %dma_wait3A_35 = tpu.memref_squeeze %dma_wait3A_34 : memref<1x81x128xi32, #tpu.memory_space<hbm>> -> memref<81x128xi32, #tpu.memory_space<hbm>>
      %dma_wait3A_36 = arith.constant 0 : i32
      %dma_wait3A_37 = arith.constant 0 : i32
      %dma_wait3A_38 = tpu.memref_slice %arg2[%add3A, %dma_wait3A_36, %dma_wait3A_37] : memref<32x81x128xi32, #tpu.memory_space<hbm>> -> memref<1x81x128xi32, #tpu.memory_space<hbm>>
      %dma_wait3A_39 = tpu.memref_squeeze %dma_wait3A_38 : memref<1x81x128xi32, #tpu.memory_space<hbm>> -> memref<81x128xi32, #tpu.memory_space<hbm>>
      tpu.wait_dma2 semaphore(%run_scoped3A : memref<!tpu.dma_semaphore, #tpu.memory_space<semaphore_mem>>) src(%dma_wait3A_39 : memref<81x128xi32, #tpu.memory_space<hbm>>) dst(%arg5 : memref<81x128xi32, #tpu.memory_space<vmem>>)
      tpu.yield
    }) : () -> ()
    %broadcast_in_dim3A = arith.constant 1.000000e+00 : f32
    %broadcast_in_dim3A_7 = vector.broadcast %broadcast_in_dim3A : f32 to vector<16xf32>
    %scan3A_8 = arith.constant 0 : i32
    %scan3A_9 = arith.constant 0 : i32
    %scan3A_10 = arith.constant 81 : i32
    %scan3A_11 = arith.addi %scan3A_9, %scan3A_10 : i32
    %scan3A_12 = arith.constant 1 : i32
    %scan3A_13 = scf.for %scan3A_26 = %scan3A_9 to %scan3A_11 step %scan3A_12 iter_args(%scan3A_27 = %scan3A_8) -> (i32)  : i32 {
      %scan3A_28 = arith.constant 0 : i32
      %scan3A_29 = arith.constant 0 : i32
      %scan3A_30 = arith.constant 8 : i32
      %scan3A_31 = arith.addi %scan3A_29, %scan3A_30 : i32
      %scan3A_32 = arith.constant 1 : i32
      %scan3A_33 = scf.for %scan3A_36 = %scan3A_29 to %scan3A_31 step %scan3A_32 iter_args(%scan3A_37 = %scan3A_28) -> (i32)  : i32 {
        %mul3A_38 = arith.constant 16 : i32
        %mul3A_39 = arith.muli %scan3A_36, %mul3A_38 : i32
        %get3A = arith.index_cast %scan3A_26 : i32 to index
        %get3A_40 = arith.index_cast %mul3A_39 : i32 to index
        %get3A_41 = tpu.vector_load %arg5[%get3A, %get3A_40] {strides = array<i32>} : memref<81x128xi32, #tpu.memory_space<vmem>>, vector<16xi32>,
        tpu.vector_store_idx %arg6[%get3A_41], %broadcast_in_dim3A_7 {add = true} : memref<10240xf32, #tpu.memory_space<vmem>>[vector<16xi32>], vector<16xf32>,
        %scan3A_42 = arith.constant 0 : i32
        scf.yield %scan3A_42 : i32
      }
      %scan3A_34 = arith.constant 8 : i32
      %scan3A_35 = arith.constant 0 : i32
      scf.yield %scan3A_35 : i32
    }
    %scan3A_14 = arith.constant 81 : i32
    "tpu.region"() ({
      %run_scoped3A = tpu.sem_alloc : memref<!tpu.dma_semaphore, #tpu.memory_space<semaphore_mem>>
      %dma_start3A = arith.constant 0 : i32
      %dma_start3A_26 = tpu.memref_slice %arg4[%arg1, %dma_start3A] : memref<16x10240xf32, #tpu.memory_space<vmem_shared>> -> memref<1x10240xf32, #tpu.memory_space<vmem_shared>>
      %dma_start3A_27 = tpu.memref_squeeze %dma_start3A_26 : memref<1x10240xf32, #tpu.memory_space<vmem_shared>> -> memref<10240xf32, #tpu.memory_space<vmem_shared>>
      %dma_start3A_28 = arith.constant 0 : i32
      %dma_start3A_29 = tpu.memref_slice %arg4[%arg1, %dma_start3A_28] : memref<16x10240xf32, #tpu.memory_space<vmem_shared>> -> memref<1x10240xf32, #tpu.memory_space<vmem_shared>>
      %dma_start3A_30 = tpu.memref_squeeze %dma_start3A_29 : memref<1x10240xf32, #tpu.memory_space<vmem_shared>> -> memref<10240xf32, #tpu.memory_space<vmem_shared>>
      tpu.enqueue_dma source(%arg6 : memref<10240xf32, #tpu.memory_space<vmem>>) target(%dma_start3A_30 : memref<10240xf32, #tpu.memory_space<vmem_shared>>) target_semaphore(%run_scoped3A : memref<!tpu.dma_semaphore, #tpu.memory_space<semaphore_mem>>)
      %dma_wait3A = arith.constant 0 : i32
      %dma_wait3A_31 = tpu.memref_slice %arg4[%arg1, %dma_wait3A] : memref<16x10240xf32, #tpu.memory_space<vmem_shared>> -> memref<1x10240xf32, #tpu.memory_space<vmem_shared>>
      %dma_wait3A_32 = tpu.memref_squeeze %dma_wait3A_31 : memref<1x10240xf32, #tpu.memory_space<vmem_shared>> -> memref<10240xf32, #tpu.memory_space<vmem_shared>>
      %dma_wait3A_33 = arith.constant 0 : i32
      %dma_wait3A_34 = tpu.memref_slice %arg4[%arg1, %dma_wait3A_33] : memref<16x10240xf32, #tpu.memory_space<vmem_shared>> -> memref<1x10240xf32, #tpu.memory_space<vmem_shared>>
      %dma_wait3A_35 = tpu.memref_squeeze %dma_wait3A_34 : memref<1x10240xf32, #tpu.memory_space<vmem_shared>> -> memref<10240xf32, #tpu.memory_space<vmem_shared>>
      tpu.wait_dma2 semaphore(%run_scoped3A : memref<!tpu.dma_semaphore, #tpu.memory_space<semaphore_mem>>) src(%arg6 : memref<10240xf32, #tpu.memory_space<vmem>>) dst(%dma_wait3A_35 : memref<10240xf32, #tpu.memory_space<vmem_shared>>)
      tpu.yield
    }) : () -> ()
    %barrier3A = arith.constant 0 : index
    tpu.barrier barrier_id(%barrier3A)
    %mul3A_15 = arith.constant 640 : i32
    %mul3A_16 = arith.muli %arg1, %mul3A_15 : i32
    "tpu.region"() ({
      %run_scoped3A = tpu.sem_alloc : memref<!tpu.dma_semaphore, #tpu.memory_space<semaphore_mem>>
      %dma_start3A = arith.constant 0 : i32
      %dma_start3A_26 = tpu.memref_slice %arg4[%dma_start3A, %mul3A_16] : memref<16x10240xf32, #tpu.memory_space<vmem_shared>> -> memref<16x640xf32, #tpu.memory_space<vmem_shared>>
      %dma_start3A_27 = arith.constant 0 : i32
      %dma_start3A_28 = tpu.memref_slice %arg4[%dma_start3A_27, %mul3A_16] : memref<16x10240xf32, #tpu.memory_space<vmem_shared>> -> memref<16x640xf32, #tpu.memory_space<vmem_shared>>
      tpu.enqueue_dma source(%dma_start3A_28 : memref<16x640xf32, #tpu.memory_space<vmem_shared>>) target(%arg7 : memref<16x640xf32, #tpu.memory_space<vmem>>) target_semaphore(%run_scoped3A : memref<!tpu.dma_semaphore, #tpu.memory_space<semaphore_mem>>)
      %dma_wait3A = arith.constant 0 : i32
      %dma_wait3A_29 = tpu.memref_slice %arg4[%dma_wait3A, %mul3A_16] : memref<16x10240xf32, #tpu.memory_space<vmem_shared>> -> memref<16x640xf32, #tpu.memory_space<vmem_shared>>
      %dma_wait3A_30 = arith.constant 0 : i32
      %dma_wait3A_31 = tpu.memref_slice %arg4[%dma_wait3A_30, %mul3A_16] : memref<16x10240xf32, #tpu.memory_space<vmem_shared>> -> memref<16x640xf32, #tpu.memory_space<vmem_shared>>
      tpu.wait_dma2 semaphore(%run_scoped3A : memref<!tpu.dma_semaphore, #tpu.memory_space<semaphore_mem>>) src(%dma_wait3A_31 : memref<16x640xf32, #tpu.memory_space<vmem_shared>>) dst(%arg7 : memref<16x640xf32, #tpu.memory_space<vmem>>)
      tpu.yield
    }) : () -> ()
    %scan3A_17 = arith.constant 0 : i32
    %scan3A_18 = arith.constant 0 : i32
    %scan3A_19 = arith.constant 40 : i32
    %scan3A_20 = arith.addi %scan3A_18, %scan3A_19 : i32
    %scan3A_21 = arith.constant 1 : i32
    %scan3A_22 = scf.for %scan3A_26 = %scan3A_18 to %scan3A_20 step %scan3A_21 iter_args(%scan3A_27 = %scan3A_17) -> (i32)  : i32 {
      %broadcast_in_dim3A_28 = arith.constant 0.000000e+00 : f32
      %broadcast_in_dim3A_29 = vector.broadcast %broadcast_in_dim3A_28 : f32 to vector<16xf32>
      %scan3A_30 = arith.constant 0 : i32
      %scan3A_31 = arith.constant 16 : i32
      %scan3A_32 = arith.addi %scan3A_30, %scan3A_31 : i32
      %scan3A_33 = arith.constant 1 : i32
      %scan3A_34 = scf.for %scan3A_40 = %scan3A_30 to %scan3A_32 step %scan3A_33 iter_args(%scan3A_41 = %broadcast_in_dim3A_29) -> (vector<16xf32>)  : i32 {
        %mul3A_42 = arith.constant 16 : i32
        %mul3A_43 = arith.muli %scan3A_26, %mul3A_42 : i32
        %get3A = arith.index_cast %scan3A_40 : i32 to index
        %get3A_44 = arith.index_cast %mul3A_43 : i32 to index
        %get3A_45 = tpu.vector_load %arg7[%get3A, %get3A_44] {strides = array<i32>} : memref<16x640xf32, #tpu.memory_space<vmem>>, vector<16xf32>,
        %add3A_46 = arith.addf %scan3A_41, %get3A_45 : vector<16xf32>
        scf.yield %add3A_46 : vector<16xf32>
      }
      %scan3A_35 = arith.constant 16 : i32
      %mul3A_36 = arith.constant 16 : i32
      %mul3A_37 = arith.muli %scan3A_26, %mul3A_36 : i32
      %swap3A = arith.index_cast %mul3A_37 : i32 to index
      %swap3A_38 = tpu.vector_load %arg6[%swap3A] {strides = array<i32>} : memref<10240xf32, #tpu.memory_space<vmem>>, vector<16xf32>,
      tpu.vector_store %arg6[%swap3A], %scan3A_34 {strides = array<i32>} : memref<10240xf32, #tpu.memory_space<vmem>>, vector<16xf32>,
      %scan3A_39 = arith.constant 0 : i32
      scf.yield %scan3A_39 : i32
    }
    %scan3A_23 = arith.constant 40 : i32
    %mul3A_24 = arith.constant 640 : i32
    %mul3A_25 = arith.muli %arg1, %mul3A_24 : i32
    "tpu.region"() ({
      %run_scoped3A = tpu.sem_alloc : memref<!tpu.dma_semaphore, #tpu.memory_space<semaphore_mem>>
      %dma_start3A = arith.constant 0 : i32
      %dma_start3A_26 = tpu.memref_slice %arg6[%dma_start3A] : memref<10240xf32, #tpu.memory_space<vmem>> -> memref<640xf32, #tpu.memory_space<vmem>>
      %dma_start3A_27 = tpu.memref_slice %arg3[%arg0, %mul3A_25] : memref<2x10240xf32, #tpu.memory_space<hbm>> -> memref<1x640xf32, #tpu.memory_space<hbm>>
      %dma_start3A_28 = tpu.memref_squeeze %dma_start3A_27 : memref<1x640xf32, #tpu.memory_space<hbm>> -> memref<640xf32, #tpu.memory_space<hbm>>
      %dma_start3A_29 = tpu.memref_slice %arg3[%arg0, %mul3A_25] : memref<2x10240xf32, #tpu.memory_space<hbm>> -> memref<1x640xf32, #tpu.memory_space<hbm>>
      %dma_start3A_30 = tpu.memref_squeeze %dma_start3A_29 : memref<1x640xf32, #tpu.memory_space<hbm>> -> memref<640xf32, #tpu.memory_space<hbm>>
      %dma_start3A_31 = arith.constant 0 : i32
      %dma_start3A_32 = tpu.memref_slice %arg6[%dma_start3A_31] : memref<10240xf32, #tpu.memory_space<vmem>> -> memref<640xf32, #tpu.memory_space<vmem>>
      tpu.enqueue_dma source(%dma_start3A_32 : memref<640xf32, #tpu.memory_space<vmem>>) target(%dma_start3A_30 : memref<640xf32, #tpu.memory_space<hbm>>) target_semaphore(%run_scoped3A : memref<!tpu.dma_semaphore, #tpu.memory_space<semaphore_mem>>)
      %dma_wait3A = arith.constant 0 : i32
      %dma_wait3A_33 = tpu.memref_slice %arg6[%dma_wait3A] : memref<10240xf32, #tpu.memory_space<vmem>> -> memref<640xf32, #tpu.memory_space<vmem>>
      %dma_wait3A_34 = tpu.memref_slice %arg3[%arg0, %mul3A_25] : memref<2x10240xf32, #tpu.memory_space<hbm>> -> memref<1x640xf32, #tpu.memory_space<hbm>>
      %dma_wait3A_35 = tpu.memref_squeeze %dma_wait3A_34 : memref<1x640xf32, #tpu.memory_space<hbm>> -> memref<640xf32, #tpu.memory_space<hbm>>
      %dma_wait3A_36 = tpu.memref_slice %arg3[%arg0, %mul3A_25] : memref<2x10240xf32, #tpu.memory_space<hbm>> -> memref<1x640xf32, #tpu.memory_space<hbm>>
      %dma_wait3A_37 = tpu.memref_squeeze %dma_wait3A_36 : memref<1x640xf32, #tpu.memory_space<hbm>> -> memref<640xf32, #tpu.memory_space<hbm>>
      %dma_wait3A_38 = arith.constant 0 : i32
      %dma_wait3A_39 = tpu.memref_slice %arg6[%dma_wait3A_38] : memref<10240xf32, #tpu.memory_space<vmem>> -> memref<640xf32, #tpu.memory_space<vmem>>
      tpu.wait_dma2 semaphore(%run_scoped3A : memref<!tpu.dma_semaphore, #tpu.memory_space<semaphore_mem>>) src(%dma_wait3A_39 : memref<640xf32, #tpu.memory_space<vmem>>) dst(%dma_wait3A_37 : memref<640xf32, #tpu.memory_space<hbm>>)
      tpu.yield
    }) : () -> ()
    return
  }
}

#map = affine_map<(d0, d1) -> (0, 0, 0)>
#map1 = affine_map<(d0, d1) -> (0, 0)>
module attributes {stable_mosaic.version = 14 : i64} {
  func.func @k(%arg0: i32, %arg1: i32, %arg2: memref<32x81x128xi32, #tpu.memory_space<hbm>>, %arg3: memref<32x81x128xi32, #tpu.memory_space<hbm>>, %arg4: memref<10240x128xf32, #tpu.memory_space<hbm>>, %arg5: memref<2x10240x128xf32, #tpu.memory_space<hbm>>, %arg6: memref<10240x128xf32, #tpu.memory_space<vmem_shared>>, %arg7: memref<81x128xi32, #tpu.memory_space<vmem>>, %arg8: memref<81x128xi32, #tpu.memory_space<vmem>>, %arg9: memref<64x128xf32, #tpu.memory_space<vmem>>, %arg10: memref<128x128xf32, #tpu.memory_space<vmem>>, %arg11: memref<!tpu.dma_semaphore, #tpu.memory_space<semaphore_mem>>) attributes {dimension_semantics = [#tpu.dimension_semantics<core_parallel>, #tpu.dimension_semantics<subcore_parallel>], iteration_bounds = array<i64: 2, 16>, scalar_prefetch = 0 : i64, scratch_operands = 6 : i64, tpu.core_type = #tpu.core_type<sc_vector_subcore>, window_params = [{transform_indices = #map}, {transform_indices = #map}, {transform_indices = #map1}, {transform_indices = #map}]} {
    %mul3A = arith.constant 16 : i32
    %mul3A_0 = arith.muli %arg0, %mul3A : i32
    %add3A = arith.addi %mul3A_0, %arg1 : i32
    %scan3A = arith.constant 0 : i32
    %scan3A_1 = arith.constant 0 : i32
    %scan3A_2 = arith.constant 512 : i32
    %scan3A_3 = arith.addi %scan3A_1, %scan3A_2 : i32
    %scan3A_4 = arith.constant 1 : i32
    %scan3A_5 = scf.for %scan3A_26 = %scan3A_1 to %scan3A_3 step %scan3A_4 iter_args(%scan3A_27 = %scan3A) -> (i32)  : i32 {
      %broadcast_in_dim3A = arith.constant 0.000000e+00 : f32
      %broadcast_in_dim3A_28 = vector.broadcast %broadcast_in_dim3A : f32 to vector<16xf32>
      %jit3A = arith.constant 8 : i32
      %div3A = arith.divsi %scan3A_26, %jit3A : i32
      %sign3A = arith.constant 0 : i32
      %sign3A_29 = arith.cmpi sgt, %scan3A_26, %sign3A : i32
      %sign3A_30 = arith.extui %sign3A_29 : i1 to i32
      %sign3A_31 = arith.constant 0 : i32
      %sign3A_32 = arith.cmpi slt, %scan3A_26, %sign3A_31 : i32
      %sign3A_33 = arith.extui %sign3A_32 : i1 to i32
      %sign3A_34 = arith.subi %sign3A_30, %sign3A_33 : i32
      %sign3A_35 = arith.constant 0 : i32
      %sign3A_36 = arith.cmpi sgt, %jit3A, %sign3A_35 : i32
      %sign3A_37 = arith.extui %sign3A_36 : i1 to i32
      %sign3A_38 = arith.constant 0 : i32
      %sign3A_39 = arith.cmpi slt, %jit3A, %sign3A_38 : i32
      %sign3A_40 = arith.extui %sign3A_39 : i1 to i32
      %sign3A_41 = arith.subi %sign3A_37, %sign3A_40 : i32
      %ne3A = arith.cmpi ne, %sign3A_34, %sign3A_41 : i32
      %rem3A = arith.remsi %scan3A_26, %jit3A : i32
      %ne3A_42 = arith.constant 0 : i32
      %ne3A_43 = arith.cmpi ne, %rem3A, %ne3A_42 : i32
      %and3A = arith.andi %ne3A, %ne3A_43 : i1
      %sub3A = arith.constant 1 : i32
      %sub3A_44 = arith.subi %div3A, %sub3A : i32
      %select_n3A = arith.select %and3A, %sub3A_44, %div3A : i32
      %jit3A_45 = arith.constant 8 : i32
      %eq3A = arith.constant 0 : i32
      %eq3A_46 = arith.cmpi eq, %jit3A_45, %eq3A : i32
      %jit3A_47 = arith.constant 1 : i32
      %select_n3A_48 = arith.select %eq3A_46, %jit3A_47, %jit3A_45 : i32
      %rem3A_49 = arith.remsi %scan3A_26, %select_n3A_48 : i32
      %ne3A_50 = arith.constant 0 : i32
      %ne3A_51 = arith.cmpi ne, %rem3A_49, %ne3A_50 : i32
      %lt3A = arith.constant 0 : i32
      %lt3A_52 = arith.cmpi slt, %rem3A_49, %lt3A : i32
      %lt3A_53 = arith.constant 0 : i32
      %lt3A_54 = arith.cmpi slt, %select_n3A_48, %lt3A_53 : i32
      %ne3A_55 = arith.xori %lt3A_52, %lt3A_54 : i1
      %and3A_56 = arith.andi %ne3A_55, %ne3A_51 : i1
      %add3A_57 = arith.addi %rem3A_49, %select_n3A_48 : i32
      %select_n3A_58 = arith.select %and3A_56, %add3A_57, %rem3A_49 : i32
      %mul3A_59 = arith.constant 16 : i32
      %mul3A_60 = arith.muli %select_n3A_58, %mul3A_59 : i32
      %swap3A = arith.index_cast %select_n3A : i32 to index
      %swap3A_61 = arith.index_cast %mul3A_60 : i32 to index
      %swap3A_62 = tpu.vector_load %arg9[%swap3A, %swap3A_61] {strides = array<i32>} : memref<64x128xf32, #tpu.memory_space<vmem>>, vector<1x16xf32>,
      %swap3A_63 = vector.shape_cast %swap3A_62 : vector<1x16xf32> to vector<16xf32>
      %swap3A_64 = vector.shape_cast %broadcast_in_dim3A_28 : vector<16xf32> to vector<1x16xf32>
      tpu.vector_store %arg9[%swap3A, %swap3A_61], %swap3A_64 {strides = array<i32>} : memref<64x128xf32, #tpu.memory_space<vmem>>, vector<1x16xf32>,
      %scan3A_65 = arith.constant 0 : i32
      scf.yield %scan3A_65 : i32
    }
    %scan3A_6 = arith.constant 512 : i32
    %scan3A_7 = arith.constant 0 : i32
    %scan3A_8 = arith.constant 0 : i32
    %scan3A_9 = arith.constant 10 : i32
    %scan3A_10 = arith.addi %scan3A_8, %scan3A_9 : i32
    %scan3A_11 = arith.constant 1 : i32
    %scan3A_12 = scf.for %scan3A_26 = %scan3A_8 to %scan3A_10 step %scan3A_11 iter_args(%scan3A_27 = %scan3A_7) -> (i32)  : i32 {
      %mul3A_28 = arith.constant 640 : i32
      %mul3A_29 = arith.muli %arg1, %mul3A_28 : i32
      %mul3A_30 = arith.constant 64 : i32
      %mul3A_31 = arith.muli %scan3A_26, %mul3A_30 : i32
      %add3A_32 = arith.addi %mul3A_29, %mul3A_31 : i32
      "tpu.region"() ({
        %run_scoped3A = tpu.sem_alloc : memref<!tpu.dma_semaphore, #tpu.memory_space<semaphore_mem>>
        %dma_start3A = arith.constant 0 : i32
        %dma_start3A_34 = tpu.memref_slice %arg6[%add3A_32, %dma_start3A] : memref<10240x128xf32, #tpu.memory_space<vmem_shared>> -> memref<64x128xf32, #tpu.memory_space<vmem_shared>>
        %dma_start3A_35 = arith.constant 0 : i32
        %dma_start3A_36 = tpu.memref_slice %arg6[%add3A_32, %dma_start3A_35] : memref<10240x128xf32, #tpu.memory_space<vmem_shared>> -> memref<64x128xf32, #tpu.memory_space<vmem_shared>>
        tpu.enqueue_dma source(%arg9 : memref<64x128xf32, #tpu.memory_space<vmem>>) target(%dma_start3A_36 : memref<64x128xf32, #tpu.memory_space<vmem_shared>>) target_semaphore(%run_scoped3A : memref<!tpu.dma_semaphore, #tpu.memory_space<semaphore_mem>>)
        %dma_wait3A = arith.constant 0 : i32
        %dma_wait3A_37 = tpu.memref_slice %arg6[%add3A_32, %dma_wait3A] : memref<10240x128xf32, #tpu.memory_space<vmem_shared>> -> memref<64x128xf32, #tpu.memory_space<vmem_shared>>
        %dma_wait3A_38 = arith.constant 0 : i32
        %dma_wait3A_39 = tpu.memref_slice %arg6[%add3A_32, %dma_wait3A_38] : memref<10240x128xf32, #tpu.memory_space<vmem_shared>> -> memref<64x128xf32, #tpu.memory_space<vmem_shared>>
        tpu.wait_dma2 semaphore(%run_scoped3A : memref<!tpu.dma_semaphore, #tpu.memory_space<semaphore_mem>>) src(%arg9 : memref<64x128xf32, #tpu.memory_space<vmem>>) dst(%dma_wait3A_39 : memref<64x128xf32, #tpu.memory_space<vmem_shared>>)
        tpu.yield
      }) : () -> ()
      %scan3A_33 = arith.constant 0 : i32
      scf.yield %scan3A_33 : i32
    }
    %scan3A_13 = arith.constant 10 : i32
    %barrier3A = arith.constant 0 : index
    tpu.barrier barrier_id(%barrier3A)
    "tpu.region"() ({
      %run_scoped3A = tpu.sem_alloc : memref<!tpu.dma_semaphore, #tpu.memory_space<semaphore_mem>>
      %dma_start3A = arith.constant 0 : i32
      %dma_start3A_26 = arith.constant 0 : i32
      %dma_start3A_27 = tpu.memref_slice %arg2[%add3A, %dma_start3A, %dma_start3A_26] : memref<32x81x128xi32, #tpu.memory_space<hbm>> -> memref<1x81x128xi32, #tpu.memory_space<hbm>>
      %dma_start3A_28 = tpu.memref_squeeze %dma_start3A_27 : memref<1x81x128xi32, #tpu.memory_space<hbm>> -> memref<81x128xi32, #tpu.memory_space<hbm>>
      %dma_start3A_29 = arith.constant 0 : i32
      %dma_start3A_30 = arith.constant 0 : i32
      %dma_start3A_31 = tpu.memref_slice %arg2[%add3A, %dma_start3A_29, %dma_start3A_30] : memref<32x81x128xi32, #tpu.memory_space<hbm>> -> memref<1x81x128xi32, #tpu.memory_space<hbm>>
      %dma_start3A_32 = tpu.memref_squeeze %dma_start3A_31 : memref<1x81x128xi32, #tpu.memory_space<hbm>> -> memref<81x128xi32, #tpu.memory_space<hbm>>
      tpu.enqueue_dma source(%dma_start3A_32 : memref<81x128xi32, #tpu.memory_space<hbm>>) target(%arg7 : memref<81x128xi32, #tpu.memory_space<vmem>>) target_semaphore(%run_scoped3A : memref<!tpu.dma_semaphore, #tpu.memory_space<semaphore_mem>>)
      %dma_wait3A = arith.constant 0 : i32
      %dma_wait3A_33 = arith.constant 0 : i32
      %dma_wait3A_34 = tpu.memref_slice %arg2[%add3A, %dma_wait3A, %dma_wait3A_33] : memref<32x81x128xi32, #tpu.memory_space<hbm>> -> memref<1x81x128xi32, #tpu.memory_space<hbm>>
      %dma_wait3A_35 = tpu.memref_squeeze %dma_wait3A_34 : memref<1x81x128xi32, #tpu.memory_space<hbm>> -> memref<81x128xi32, #tpu.memory_space<hbm>>
      %dma_wait3A_36 = arith.constant 0 : i32
      %dma_wait3A_37 = arith.constant 0 : i32
      %dma_wait3A_38 = tpu.memref_slice %arg2[%add3A, %dma_wait3A_36, %dma_wait3A_37] : memref<32x81x128xi32, #tpu.memory_space<hbm>> -> memref<1x81x128xi32, #tpu.memory_space<hbm>>
      %dma_wait3A_39 = tpu.memref_squeeze %dma_wait3A_38 : memref<1x81x128xi32, #tpu.memory_space<hbm>> -> memref<81x128xi32, #tpu.memory_space<hbm>>
      tpu.wait_dma2 semaphore(%run_scoped3A : memref<!tpu.dma_semaphore, #tpu.memory_space<semaphore_mem>>) src(%dma_wait3A_39 : memref<81x128xi32, #tpu.memory_space<hbm>>) dst(%arg7 : memref<81x128xi32, #tpu.memory_space<vmem>>)
      tpu.yield
    }) : () -> ()
    "tpu.region"() ({
      %run_scoped3A = tpu.sem_alloc : memref<!tpu.dma_semaphore, #tpu.memory_space<semaphore_mem>>
      %dma_start3A = arith.constant 0 : i32
      %dma_start3A_26 = arith.constant 0 : i32
      %dma_start3A_27 = tpu.memref_slice %arg3[%add3A, %dma_start3A, %dma_start3A_26] : memref<32x81x128xi32, #tpu.memory_space<hbm>> -> memref<1x81x128xi32, #tpu.memory_space<hbm>>
      %dma_start3A_28 = tpu.memref_squeeze %dma_start3A_27 : memref<1x81x128xi32, #tpu.memory_space<hbm>> -> memref<81x128xi32, #tpu.memory_space<hbm>>
      %dma_start3A_29 = arith.constant 0 : i32
      %dma_start3A_30 = arith.constant 0 : i32
      %dma_start3A_31 = tpu.memref_slice %arg3[%add3A, %dma_start3A_29, %dma_start3A_30] : memref<32x81x128xi32, #tpu.memory_space<hbm>> -> memref<1x81x128xi32, #tpu.memory_space<hbm>>
      %dma_start3A_32 = tpu.memref_squeeze %dma_start3A_31 : memref<1x81x128xi32, #tpu.memory_space<hbm>> -> memref<81x128xi32, #tpu.memory_space<hbm>>
      tpu.enqueue_dma source(%dma_start3A_32 : memref<81x128xi32, #tpu.memory_space<hbm>>) target(%arg8 : memref<81x128xi32, #tpu.memory_space<vmem>>) target_semaphore(%run_scoped3A : memref<!tpu.dma_semaphore, #tpu.memory_space<semaphore_mem>>)
      %dma_wait3A = arith.constant 0 : i32
      %dma_wait3A_33 = arith.constant 0 : i32
      %dma_wait3A_34 = tpu.memref_slice %arg3[%add3A, %dma_wait3A, %dma_wait3A_33] : memref<32x81x128xi32, #tpu.memory_space<hbm>> -> memref<1x81x128xi32, #tpu.memory_space<hbm>>
      %dma_wait3A_35 = tpu.memref_squeeze %dma_wait3A_34 : memref<1x81x128xi32, #tpu.memory_space<hbm>> -> memref<81x128xi32, #tpu.memory_space<hbm>>
      %dma_wait3A_36 = arith.constant 0 : i32
      %dma_wait3A_37 = arith.constant 0 : i32
      %dma_wait3A_38 = tpu.memref_slice %arg3[%add3A, %dma_wait3A_36, %dma_wait3A_37] : memref<32x81x128xi32, #tpu.memory_space<hbm>> -> memref<1x81x128xi32, #tpu.memory_space<hbm>>
      %dma_wait3A_39 = tpu.memref_squeeze %dma_wait3A_38 : memref<1x81x128xi32, #tpu.memory_space<hbm>> -> memref<81x128xi32, #tpu.memory_space<hbm>>
      tpu.wait_dma2 semaphore(%run_scoped3A : memref<!tpu.dma_semaphore, #tpu.memory_space<semaphore_mem>>) src(%dma_wait3A_39 : memref<81x128xi32, #tpu.memory_space<hbm>>) dst(%arg8 : memref<81x128xi32, #tpu.memory_space<vmem>>)
      tpu.yield
    }) : () -> ()
    %scan3A_14 = arith.constant 0 : i32
    %scan3A_15 = arith.constant 0 : i32
    %scan3A_16 = arith.constant 81 : i32
    %scan3A_17 = arith.addi %scan3A_15, %scan3A_16 : i32
    %scan3A_18 = arith.constant 1 : i32
    %scan3A_19 = scf.for %scan3A_26 = %scan3A_15 to %scan3A_17 step %scan3A_18 iter_args(%scan3A_27 = %scan3A_14) -> (i32)  : i32 {
      %dma_start3A = arith.constant 0 : i32
      %dma_start3A_28 = tpu.memref_slice %arg7[%scan3A_26, %dma_start3A] : memref<81x128xi32, #tpu.memory_space<vmem>> -> memref<1x128xi32, #tpu.memory_space<vmem>>
      %dma_start3A_29 = tpu.memref_squeeze %dma_start3A_28 : memref<1x128xi32, #tpu.memory_space<vmem>> -> memref<128xi32, #tpu.memory_space<vmem>>
      %dma_start3A_30 = arith.constant 0 : i32
      %dma_start3A_31 = arith.constant 0 : i32
      %dma_start3A_32 = tpu.memref_slice %arg4[%dma_start3A_30, %dma_start3A_31] : memref<10240x128xf32, #tpu.memory_space<hbm>> -> memref<10240x128xf32, #tpu.memory_space<hbm>>
      tpu.enqueue_indirect_dma source(%dma_start3A_32 : memref<10240x128xf32, #tpu.memory_space<hbm>>) target(%arg10 : memref<128x128xf32, #tpu.memory_space<vmem>>) offsets(%dma_start3A_29 : memref<128xi32, #tpu.memory_space<vmem>>) semaphore(%arg11 : memref<!tpu.dma_semaphore, #tpu.memory_space<semaphore_mem>>)
      %dma_wait3A = arith.constant 0 : i32
      %dma_wait3A_33 = tpu.memref_slice %arg7[%scan3A_26, %dma_wait3A] : memref<81x128xi32, #tpu.memory_space<vmem>> -> memref<1x128xi32, #tpu.memory_space<vmem>>
      %dma_wait3A_34 = tpu.memref_squeeze %dma_wait3A_33 : memref<1x128xi32, #tpu.memory_space<vmem>> -> memref<128xi32, #tpu.memory_space<vmem>>
      %dma_wait3A_35 = arith.constant 0 : i32
      %dma_wait3A_36 = arith.constant 0 : i32
      %dma_wait3A_37 = tpu.memref_slice %arg4[%dma_wait3A_35, %dma_wait3A_36] : memref<10240x128xf32, #tpu.memory_space<hbm>> -> memref<10240x128xf32, #tpu.memory_space<hbm>>
      tpu.wait_indirect_dma semaphore(%arg11 : memref<!tpu.dma_semaphore, #tpu.memory_space<semaphore_mem>>) src(%dma_wait3A_37 : memref<10240x128xf32, #tpu.memory_space<hbm>>) dst(%arg10 : memref<128x128xf32, #tpu.memory_space<vmem>>)
      "tpu.region"() ({
        %run_scoped3A = tpu.sem_alloc : memref<!tpu.dma_semaphore, #tpu.memory_space<semaphore_mem>>
        %dma_start3A_39 = arith.constant 0 : i32
        %dma_start3A_40 = tpu.memref_slice %arg8[%scan3A_26, %dma_start3A_39] : memref<81x128xi32, #tpu.memory_space<vmem>> -> memref<1x128xi32, #tpu.memory_space<vmem>>
        %dma_start3A_41 = tpu.memref_squeeze %dma_start3A_40 : memref<1x128xi32, #tpu.memory_space<vmem>> -> memref<128xi32, #tpu.memory_space<vmem>>
        %dma_start3A_42 = arith.constant 0 : i32
        %dma_start3A_43 = arith.constant 0 : i32
        %dma_start3A_44 = tpu.memref_slice %arg6[%dma_start3A_42, %dma_start3A_43] : memref<10240x128xf32, #tpu.memory_space<vmem_shared>> -> memref<10240x128xf32, #tpu.memory_space<vmem_shared>>
        tpu.enqueue_indirect_dma source(%arg10 : memref<128x128xf32, #tpu.memory_space<vmem>>) target(%dma_start3A_44 : memref<10240x128xf32, #tpu.memory_space<vmem_shared>>) offsets(%dma_start3A_41 : memref<128xi32, #tpu.memory_space<vmem>>) semaphore(%run_scoped3A : memref<!tpu.dma_semaphore, #tpu.memory_space<semaphore_mem>>) {add = true}
        %dma_wait3A_45 = arith.constant 0 : i32
        %dma_wait3A_46 = tpu.memref_slice %arg8[%scan3A_26, %dma_wait3A_45] : memref<81x128xi32, #tpu.memory_space<vmem>> -> memref<1x128xi32, #tpu.memory_space<vmem>>
        %dma_wait3A_47 = tpu.memref_squeeze %dma_wait3A_46 : memref<1x128xi32, #tpu.memory_space<vmem>> -> memref<128xi32, #tpu.memory_space<vmem>>
        %dma_wait3A_48 = arith.constant 0 : i32
        %dma_wait3A_49 = arith.constant 0 : i32
        %dma_wait3A_50 = tpu.memref_slice %arg6[%dma_wait3A_48, %dma_wait3A_49] : memref<10240x128xf32, #tpu.memory_space<vmem_shared>> -> memref<10240x128xf32, #tpu.memory_space<vmem_shared>>
        tpu.wait_indirect_dma semaphore(%run_scoped3A : memref<!tpu.dma_semaphore, #tpu.memory_space<semaphore_mem>>) src(%arg10 : memref<128x128xf32, #tpu.memory_space<vmem>>) dst(%dma_wait3A_50 : memref<10240x128xf32, #tpu.memory_space<vmem_shared>>)
        tpu.yield
      }) : () -> ()
      %scan3A_38 = arith.constant 0 : i32
      scf.yield %scan3A_38 : i32
    }
    %scan3A_20 = arith.constant 81 : i32
    %barrier3A_21 = arith.constant 0 : index
    tpu.barrier barrier_id(%barrier3A_21)
    %mul3A_22 = arith.constant 640 : i32
    %mul3A_23 = arith.muli %arg1, %mul3A_22 : i32
    %mul3A_24 = arith.constant 640 : i32
    %mul3A_25 = arith.muli %arg1, %mul3A_24 : i32
    "tpu.region"() ({
      %run_scoped3A = tpu.sem_alloc : memref<!tpu.dma_semaphore, #tpu.memory_space<semaphore_mem>>
      %dma_start3A = arith.constant 0 : i32
      %dma_start3A_26 = tpu.memref_slice %arg5[%arg0, %mul3A_25, %dma_start3A] : memref<2x10240x128xf32, #tpu.memory_space<hbm>> -> memref<1x640x128xf32, #tpu.memory_space<hbm>>
      %dma_start3A_27 = tpu.memref_squeeze %dma_start3A_26 : memref<1x640x128xf32, #tpu.memory_space<hbm>> -> memref<640x128xf32, #tpu.memory_space<hbm>>
      %dma_start3A_28 = arith.constant 0 : i32
      %dma_start3A_29 = tpu.memref_slice %arg6[%mul3A_23, %dma_start3A_28] : memref<10240x128xf32, #tpu.memory_space<vmem_shared>> -> memref<640x128xf32, #tpu.memory_space<vmem_shared>>
      tpu.enqueue_dma source(%dma_start3A_29 : memref<640x128xf32, #tpu.memory_space<vmem_shared>>) target(%dma_start3A_27 : memref<640x128xf32, #tpu.memory_space<hbm>>) target_semaphore(%run_scoped3A : memref<!tpu.dma_semaphore, #tpu.memory_space<semaphore_mem>>)
      %dma_wait3A = arith.constant 0 : i32
      %dma_wait3A_30 = tpu.memref_slice %arg5[%arg0, %mul3A_25, %dma_wait3A] : memref<2x10240x128xf32, #tpu.memory_space<hbm>> -> memref<1x640x128xf32, #tpu.memory_space<hbm>>
      %dma_wait3A_31 = tpu.memref_squeeze %dma_wait3A_30 : memref<1x640x128xf32, #tpu.memory_space<hbm>> -> memref<640x128xf32, #tpu.memory_space<hbm>>
      %dma_wait3A_32 = arith.constant 0 : i32
      %dma_wait3A_33 = tpu.memref_slice %arg6[%mul3A_23, %dma_wait3A_32] : memref<10240x128xf32, #tpu.memory_space<vmem_shared>> -> memref<640x128xf32, #tpu.memory_space<vmem_shared>>
      tpu.wait_dma2 semaphore(%run_scoped3A : memref<!tpu.dma_semaphore, #tpu.memory_space<semaphore_mem>>) src(%dma_wait3A_33 : memref<640x128xf32, #tpu.memory_space<vmem_shared>>) dst(%dma_wait3A_31 : memref<640x128xf32, #tpu.memory_space<hbm>>)
      tpu.yield
    }) : () -> ()
    return
  }
}

#map = affine_map<(d0, d1) -> (0, 0, 0)>
#map1 = affine_map<(d0, d1) -> (0, 0)>
module attributes {stable_mosaic.version = 14 : i64} {
  func.func @k(%arg0: i32, %arg1: i32, %arg2: memref<32x81x128xi32, #tpu.memory_space<hbm>>, %arg3: memref<32x81x128xi32, #tpu.memory_space<hbm>>, %arg4: memref<10240x128xf32, #tpu.memory_space<hbm>>, %arg5: memref<2x10240x128xf32, #tpu.memory_space<hbm>>, %arg6: memref<10240x128xf32, #tpu.memory_space<vmem_shared>>, %arg7: memref<81x128xi32, #tpu.memory_space<vmem>>, %arg8: memref<81x128xi32, #tpu.memory_space<vmem>>, %arg9: memref<64x128xf32, #tpu.memory_space<vmem>>, %arg10: memref<128x128xf32, #tpu.memory_space<vmem>>, %arg11: memref<!tpu.dma_semaphore, #tpu.memory_space<semaphore_mem>>) attributes {dimension_semantics = [#tpu.dimension_semantics<core_parallel>, #tpu.dimension_semantics<subcore_parallel>], iteration_bounds = array<i64: 2, 16>, scalar_prefetch = 0 : i64, scratch_operands = 6 : i64, tpu.core_type = #tpu.core_type<sc_vector_subcore>, window_params = [{transform_indices = #map}, {transform_indices = #map}, {transform_indices = #map1}, {transform_indices = #map}]} {
    %mul3A = arith.constant 16 : i32
    %mul3A_0 = arith.muli %arg0, %mul3A : i32
    %add3A = arith.addi %mul3A_0, %arg1 : i32
    %scan3A = arith.constant 0 : i32
    %scan3A_1 = arith.constant 0 : i32
    %scan3A_2 = arith.constant 512 : i32
    %scan3A_3 = arith.addi %scan3A_1, %scan3A_2 : i32
    %scan3A_4 = arith.constant 1 : i32
    %scan3A_5 = scf.for %scan3A_26 = %scan3A_1 to %scan3A_3 step %scan3A_4 iter_args(%scan3A_27 = %scan3A) -> (i32)  : i32 {
      %broadcast_in_dim3A = arith.constant 0.000000e+00 : f32
      %broadcast_in_dim3A_28 = vector.broadcast %broadcast_in_dim3A : f32 to vector<16xf32>
      %jit3A = arith.constant 8 : i32
      %div3A = arith.divsi %scan3A_26, %jit3A : i32
      %sign3A = arith.constant 0 : i32
      %sign3A_29 = arith.cmpi sgt, %scan3A_26, %sign3A : i32
      %sign3A_30 = arith.extui %sign3A_29 : i1 to i32
      %sign3A_31 = arith.constant 0 : i32
      %sign3A_32 = arith.cmpi slt, %scan3A_26, %sign3A_31 : i32
      %sign3A_33 = arith.extui %sign3A_32 : i1 to i32
      %sign3A_34 = arith.subi %sign3A_30, %sign3A_33 : i32
      %sign3A_35 = arith.constant 0 : i32
      %sign3A_36 = arith.cmpi sgt, %jit3A, %sign3A_35 : i32
      %sign3A_37 = arith.extui %sign3A_36 : i1 to i32
      %sign3A_38 = arith.constant 0 : i32
      %sign3A_39 = arith.cmpi slt, %jit3A, %sign3A_38 : i32
      %sign3A_40 = arith.extui %sign3A_39 : i1 to i32
      %sign3A_41 = arith.subi %sign3A_37, %sign3A_40 : i32
      %ne3A = arith.cmpi ne, %sign3A_34, %sign3A_41 : i32
      %rem3A = arith.remsi %scan3A_26, %jit3A : i32
      %ne3A_42 = arith.constant 0 : i32
      %ne3A_43 = arith.cmpi ne, %rem3A, %ne3A_42 : i32
      %and3A = arith.andi %ne3A, %ne3A_43 : i1
      %sub3A = arith.constant 1 : i32
      %sub3A_44 = arith.subi %div3A, %sub3A : i32
      %select_n3A = arith.select %and3A, %sub3A_44, %div3A : i32
      %jit3A_45 = arith.constant 8 : i32
      %eq3A = arith.constant 0 : i32
      %eq3A_46 = arith.cmpi eq, %jit3A_45, %eq3A : i32
      %jit3A_47 = arith.constant 1 : i32
      %select_n3A_48 = arith.select %eq3A_46, %jit3A_47, %jit3A_45 : i32
      %rem3A_49 = arith.remsi %scan3A_26, %select_n3A_48 : i32
      %ne3A_50 = arith.constant 0 : i32
      %ne3A_51 = arith.cmpi ne, %rem3A_49, %ne3A_50 : i32
      %lt3A = arith.constant 0 : i32
      %lt3A_52 = arith.cmpi slt, %rem3A_49, %lt3A : i32
      %lt3A_53 = arith.constant 0 : i32
      %lt3A_54 = arith.cmpi slt, %select_n3A_48, %lt3A_53 : i32
      %ne3A_55 = arith.xori %lt3A_52, %lt3A_54 : i1
      %and3A_56 = arith.andi %ne3A_55, %ne3A_51 : i1
      %add3A_57 = arith.addi %rem3A_49, %select_n3A_48 : i32
      %select_n3A_58 = arith.select %and3A_56, %add3A_57, %rem3A_49 : i32
      %mul3A_59 = arith.constant 16 : i32
      %mul3A_60 = arith.muli %select_n3A_58, %mul3A_59 : i32
      %swap3A = arith.index_cast %select_n3A : i32 to index
      %swap3A_61 = arith.index_cast %mul3A_60 : i32 to index
      %swap3A_62 = tpu.vector_load %arg9[%swap3A, %swap3A_61] {strides = array<i32>} : memref<64x128xf32, #tpu.memory_space<vmem>>, vector<1x16xf32>,
      %swap3A_63 = vector.shape_cast %swap3A_62 : vector<1x16xf32> to vector<16xf32>
      %swap3A_64 = vector.shape_cast %broadcast_in_dim3A_28 : vector<16xf32> to vector<1x16xf32>
      tpu.vector_store %arg9[%swap3A, %swap3A_61], %swap3A_64 {strides = array<i32>} : memref<64x128xf32, #tpu.memory_space<vmem>>, vector<1x16xf32>,
      %scan3A_65 = arith.constant 0 : i32
      scf.yield %scan3A_65 : i32
    }
    %scan3A_6 = arith.constant 512 : i32
    %scan3A_7 = arith.constant 0 : i32
    %scan3A_8 = arith.constant 0 : i32
    %scan3A_9 = arith.constant 10 : i32
    %scan3A_10 = arith.addi %scan3A_8, %scan3A_9 : i32
    %scan3A_11 = arith.constant 1 : i32
    %scan3A_12 = scf.for %scan3A_26 = %scan3A_8 to %scan3A_10 step %scan3A_11 iter_args(%scan3A_27 = %scan3A_7) -> (i32)  : i32 {
      %mul3A_28 = arith.constant 640 : i32
      %mul3A_29 = arith.muli %arg1, %mul3A_28 : i32
      %mul3A_30 = arith.constant 64 : i32
      %mul3A_31 = arith.muli %scan3A_26, %mul3A_30 : i32
      %add3A_32 = arith.addi %mul3A_29, %mul3A_31 : i32
      "tpu.region"() ({
        %run_scoped3A = tpu.sem_alloc : memref<!tpu.dma_semaphore, #tpu.memory_space<semaphore_mem>>
        %dma_start3A = arith.constant 0 : i32
        %dma_start3A_34 = tpu.memref_slice %arg6[%add3A_32, %dma_start3A] : memref<10240x128xf32, #tpu.memory_space<vmem_shared>> -> memref<64x128xf32, #tpu.memory_space<vmem_shared>>
        %dma_start3A_35 = arith.constant 0 : i32
        %dma_start3A_36 = tpu.memref_slice %arg6[%add3A_32, %dma_start3A_35] : memref<10240x128xf32, #tpu.memory_space<vmem_shared>> -> memref<64x128xf32, #tpu.memory_space<vmem_shared>>
        tpu.enqueue_dma source(%arg9 : memref<64x128xf32, #tpu.memory_space<vmem>>) target(%dma_start3A_36 : memref<64x128xf32, #tpu.memory_space<vmem_shared>>) target_semaphore(%run_scoped3A : memref<!tpu.dma_semaphore, #tpu.memory_space<semaphore_mem>>)
        %dma_wait3A = arith.constant 0 : i32
        %dma_wait3A_37 = tpu.memref_slice %arg6[%add3A_32, %dma_wait3A] : memref<10240x128xf32, #tpu.memory_space<vmem_shared>> -> memref<64x128xf32, #tpu.memory_space<vmem_shared>>
        %dma_wait3A_38 = arith.constant 0 : i32
        %dma_wait3A_39 = tpu.memref_slice %arg6[%add3A_32, %dma_wait3A_38] : memref<10240x128xf32, #tpu.memory_space<vmem_shared>> -> memref<64x128xf32, #tpu.memory_space<vmem_shared>>
        tpu.wait_dma2 semaphore(%run_scoped3A : memref<!tpu.dma_semaphore, #tpu.memory_space<semaphore_mem>>) src(%arg9 : memref<64x128xf32, #tpu.memory_space<vmem>>) dst(%dma_wait3A_39 : memref<64x128xf32, #tpu.memory_space<vmem_shared>>)
        tpu.yield
      }) : () -> ()
      %scan3A_33 = arith.constant 0 : i32
      scf.yield %scan3A_33 : i32
    }
    %scan3A_13 = arith.constant 10 : i32
    %barrier3A = arith.constant 0 : index
    tpu.barrier barrier_id(%barrier3A)
    "tpu.region"() ({
      %run_scoped3A = tpu.sem_alloc : memref<!tpu.dma_semaphore, #tpu.memory_space<semaphore_mem>>
      %dma_start3A = arith.constant 0 : i32
      %dma_start3A_26 = arith.constant 0 : i32
      %dma_start3A_27 = tpu.memref_slice %arg2[%add3A, %dma_start3A, %dma_start3A_26] : memref<32x81x128xi32, #tpu.memory_space<hbm>> -> memref<1x81x128xi32, #tpu.memory_space<hbm>>
      %dma_start3A_28 = tpu.memref_squeeze %dma_start3A_27 : memref<1x81x128xi32, #tpu.memory_space<hbm>> -> memref<81x128xi32, #tpu.memory_space<hbm>>
      %dma_start3A_29 = arith.constant 0 : i32
      %dma_start3A_30 = arith.constant 0 : i32
      %dma_start3A_31 = tpu.memref_slice %arg2[%add3A, %dma_start3A_29, %dma_start3A_30] : memref<32x81x128xi32, #tpu.memory_space<hbm>> -> memref<1x81x128xi32, #tpu.memory_space<hbm>>
      %dma_start3A_32 = tpu.memref_squeeze %dma_start3A_31 : memref<1x81x128xi32, #tpu.memory_space<hbm>> -> memref<81x128xi32, #tpu.memory_space<hbm>>
      tpu.enqueue_dma source(%dma_start3A_32 : memref<81x128xi32, #tpu.memory_space<hbm>>) target(%arg7 : memref<81x128xi32, #tpu.memory_space<vmem>>) target_semaphore(%run_scoped3A : memref<!tpu.dma_semaphore, #tpu.memory_space<semaphore_mem>>)
      %dma_wait3A = arith.constant 0 : i32
      %dma_wait3A_33 = arith.constant 0 : i32
      %dma_wait3A_34 = tpu.memref_slice %arg2[%add3A, %dma_wait3A, %dma_wait3A_33] : memref<32x81x128xi32, #tpu.memory_space<hbm>> -> memref<1x81x128xi32, #tpu.memory_space<hbm>>
      %dma_wait3A_35 = tpu.memref_squeeze %dma_wait3A_34 : memref<1x81x128xi32, #tpu.memory_space<hbm>> -> memref<81x128xi32, #tpu.memory_space<hbm>>
      %dma_wait3A_36 = arith.constant 0 : i32
      %dma_wait3A_37 = arith.constant 0 : i32
      %dma_wait3A_38 = tpu.memref_slice %arg2[%add3A, %dma_wait3A_36, %dma_wait3A_37] : memref<32x81x128xi32, #tpu.memory_space<hbm>> -> memref<1x81x128xi32, #tpu.memory_space<hbm>>
      %dma_wait3A_39 = tpu.memref_squeeze %dma_wait3A_38 : memref<1x81x128xi32, #tpu.memory_space<hbm>> -> memref<81x128xi32, #tpu.memory_space<hbm>>
      tpu.wait_dma2 semaphore(%run_scoped3A : memref<!tpu.dma_semaphore, #tpu.memory_space<semaphore_mem>>) src(%dma_wait3A_39 : memref<81x128xi32, #tpu.memory_space<hbm>>) dst(%arg7 : memref<81x128xi32, #tpu.memory_space<vmem>>)
      tpu.yield
    }) : () -> ()
    "tpu.region"() ({
      %run_scoped3A = tpu.sem_alloc : memref<!tpu.dma_semaphore, #tpu.memory_space<semaphore_mem>>
      %dma_start3A = arith.constant 0 : i32
      %dma_start3A_26 = arith.constant 0 : i32
      %dma_start3A_27 = tpu.memref_slice %arg3[%add3A, %dma_start3A, %dma_start3A_26] : memref<32x81x128xi32, #tpu.memory_space<hbm>> -> memref<1x81x128xi32, #tpu.memory_space<hbm>>
      %dma_start3A_28 = tpu.memref_squeeze %dma_start3A_27 : memref<1x81x128xi32, #tpu.memory_space<hbm>> -> memref<81x128xi32, #tpu.memory_space<hbm>>
      %dma_start3A_29 = arith.constant 0 : i32
      %dma_start3A_30 = arith.constant 0 : i32
      %dma_start3A_31 = tpu.memref_slice %arg3[%add3A, %dma_start3A_29, %dma_start3A_30] : memref<32x81x128xi32, #tpu.memory_space<hbm>> -> memref<1x81x128xi32, #tpu.memory_space<hbm>>
      %dma_start3A_32 = tpu.memref_squeeze %dma_start3A_31 : memref<1x81x128xi32, #tpu.memory_space<hbm>> -> memref<81x128xi32, #tpu.memory_space<hbm>>
      tpu.enqueue_dma source(%dma_start3A_32 : memref<81x128xi32, #tpu.memory_space<hbm>>) target(%arg8 : memref<81x128xi32, #tpu.memory_space<vmem>>) target_semaphore(%run_scoped3A : memref<!tpu.dma_semaphore, #tpu.memory_space<semaphore_mem>>)
      %dma_wait3A = arith.constant 0 : i32
      %dma_wait3A_33 = arith.constant 0 : i32
      %dma_wait3A_34 = tpu.memref_slice %arg3[%add3A, %dma_wait3A, %dma_wait3A_33] : memref<32x81x128xi32, #tpu.memory_space<hbm>> -> memref<1x81x128xi32, #tpu.memory_space<hbm>>
      %dma_wait3A_35 = tpu.memref_squeeze %dma_wait3A_34 : memref<1x81x128xi32, #tpu.memory_space<hbm>> -> memref<81x128xi32, #tpu.memory_space<hbm>>
      %dma_wait3A_36 = arith.constant 0 : i32
      %dma_wait3A_37 = arith.constant 0 : i32
      %dma_wait3A_38 = tpu.memref_slice %arg3[%add3A, %dma_wait3A_36, %dma_wait3A_37] : memref<32x81x128xi32, #tpu.memory_space<hbm>> -> memref<1x81x128xi32, #tpu.memory_space<hbm>>
      %dma_wait3A_39 = tpu.memref_squeeze %dma_wait3A_38 : memref<1x81x128xi32, #tpu.memory_space<hbm>> -> memref<81x128xi32, #tpu.memory_space<hbm>>
      tpu.wait_dma2 semaphore(%run_scoped3A : memref<!tpu.dma_semaphore, #tpu.memory_space<semaphore_mem>>) src(%dma_wait3A_39 : memref<81x128xi32, #tpu.memory_space<hbm>>) dst(%arg8 : memref<81x128xi32, #tpu.memory_space<vmem>>)
      tpu.yield
    }) : () -> ()
    %scan3A_14 = arith.constant 0 : i32
    %scan3A_15 = arith.constant 0 : i32
    %scan3A_16 = arith.constant 81 : i32
    %scan3A_17 = arith.addi %scan3A_15, %scan3A_16 : i32
    %scan3A_18 = arith.constant 1 : i32
    %scan3A_19 = scf.for %scan3A_26 = %scan3A_15 to %scan3A_17 step %scan3A_18 iter_args(%scan3A_27 = %scan3A_14) -> (i32)  : i32 {
      %dma_start3A = arith.constant 0 : i32
      %dma_start3A_28 = tpu.memref_slice %arg7[%scan3A_26, %dma_start3A] : memref<81x128xi32, #tpu.memory_space<vmem>> -> memref<1x128xi32, #tpu.memory_space<vmem>>
      %dma_start3A_29 = tpu.memref_squeeze %dma_start3A_28 : memref<1x128xi32, #tpu.memory_space<vmem>> -> memref<128xi32, #tpu.memory_space<vmem>>
      %dma_start3A_30 = arith.constant 0 : i32
      %dma_start3A_31 = arith.constant 0 : i32
      %dma_start3A_32 = tpu.memref_slice %arg4[%dma_start3A_30, %dma_start3A_31] : memref<10240x128xf32, #tpu.memory_space<hbm>> -> memref<10240x128xf32, #tpu.memory_space<hbm>>
      tpu.enqueue_indirect_dma source(%dma_start3A_32 : memref<10240x128xf32, #tpu.memory_space<hbm>>) target(%arg10 : memref<128x128xf32, #tpu.memory_space<vmem>>) offsets(%dma_start3A_29 : memref<128xi32, #tpu.memory_space<vmem>>) semaphore(%arg11 : memref<!tpu.dma_semaphore, #tpu.memory_space<semaphore_mem>>)
      %dma_wait3A = arith.constant 0 : i32
      %dma_wait3A_33 = tpu.memref_slice %arg7[%scan3A_26, %dma_wait3A] : memref<81x128xi32, #tpu.memory_space<vmem>> -> memref<1x128xi32, #tpu.memory_space<vmem>>
      %dma_wait3A_34 = tpu.memref_squeeze %dma_wait3A_33 : memref<1x128xi32, #tpu.memory_space<vmem>> -> memref<128xi32, #tpu.memory_space<vmem>>
      %dma_wait3A_35 = arith.constant 0 : i32
      %dma_wait3A_36 = arith.constant 0 : i32
      %dma_wait3A_37 = tpu.memref_slice %arg4[%dma_wait3A_35, %dma_wait3A_36] : memref<10240x128xf32, #tpu.memory_space<hbm>> -> memref<10240x128xf32, #tpu.memory_space<hbm>>
      tpu.wait_indirect_dma semaphore(%arg11 : memref<!tpu.dma_semaphore, #tpu.memory_space<semaphore_mem>>) src(%dma_wait3A_37 : memref<10240x128xf32, #tpu.memory_space<hbm>>) dst(%arg10 : memref<128x128xf32, #tpu.memory_space<vmem>>)
      "tpu.region"() ({
        %run_scoped3A = tpu.sem_alloc : memref<!tpu.dma_semaphore, #tpu.memory_space<semaphore_mem>>
        %dma_start3A_39 = arith.constant 0 : i32
        %dma_start3A_40 = tpu.memref_slice %arg8[%scan3A_26, %dma_start3A_39] : memref<81x128xi32, #tpu.memory_space<vmem>> -> memref<1x128xi32, #tpu.memory_space<vmem>>
        %dma_start3A_41 = tpu.memref_squeeze %dma_start3A_40 : memref<1x128xi32, #tpu.memory_space<vmem>> -> memref<128xi32, #tpu.memory_space<vmem>>
        %dma_start3A_42 = arith.constant 0 : i32
        %dma_start3A_43 = arith.constant 0 : i32
        %dma_start3A_44 = tpu.memref_slice %arg6[%dma_start3A_42, %dma_start3A_43] : memref<10240x128xf32, #tpu.memory_space<vmem_shared>> -> memref<10240x128xf32, #tpu.memory_space<vmem_shared>>
        tpu.enqueue_indirect_dma source(%arg10 : memref<128x128xf32, #tpu.memory_space<vmem>>) target(%dma_start3A_44 : memref<10240x128xf32, #tpu.memory_space<vmem_shared>>) offsets(%dma_start3A_41 : memref<128xi32, #tpu.memory_space<vmem>>) semaphore(%run_scoped3A : memref<!tpu.dma_semaphore, #tpu.memory_space<semaphore_mem>>) {add = true}
        %dma_wait3A_45 = arith.constant 0 : i32
        %dma_wait3A_46 = tpu.memref_slice %arg8[%scan3A_26, %dma_wait3A_45] : memref<81x128xi32, #tpu.memory_space<vmem>> -> memref<1x128xi32, #tpu.memory_space<vmem>>
        %dma_wait3A_47 = tpu.memref_squeeze %dma_wait3A_46 : memref<1x128xi32, #tpu.memory_space<vmem>> -> memref<128xi32, #tpu.memory_space<vmem>>
        %dma_wait3A_48 = arith.constant 0 : i32
        %dma_wait3A_49 = arith.constant 0 : i32
        %dma_wait3A_50 = tpu.memref_slice %arg6[%dma_wait3A_48, %dma_wait3A_49] : memref<10240x128xf32, #tpu.memory_space<vmem_shared>> -> memref<10240x128xf32, #tpu.memory_space<vmem_shared>>
        tpu.wait_indirect_dma semaphore(%run_scoped3A : memref<!tpu.dma_semaphore, #tpu.memory_space<semaphore_mem>>) src(%arg10 : memref<128x128xf32, #tpu.memory_space<vmem>>) dst(%dma_wait3A_50 : memref<10240x128xf32, #tpu.memory_space<vmem_shared>>)
        tpu.yield
      }) : () -> ()
      %scan3A_38 = arith.constant 0 : i32
      scf.yield %scan3A_38 : i32
    }
    %scan3A_20 = arith.constant 81 : i32
    %barrier3A_21 = arith.constant 0 : index
    tpu.barrier barrier_id(%barrier3A_21)
    %mul3A_22 = arith.constant 640 : i32
    %mul3A_23 = arith.muli %arg1, %mul3A_22 : i32
    %mul3A_24 = arith.constant 640 : i32
    %mul3A_25 = arith.muli %arg1, %mul3A_24 : i32
    "tpu.region"() ({
      %run_scoped3A = tpu.sem_alloc : memref<!tpu.dma_semaphore, #tpu.memory_space<semaphore_mem>>
      %dma_start3A = arith.constant 0 : i32
      %dma_start3A_26 = tpu.memref_slice %arg5[%arg0, %mul3A_25, %dma_start3A] : memref<2x10240x128xf32, #tpu.memory_space<hbm>> -> memref<1x640x128xf32, #tpu.memory_space<hbm>>
      %dma_start3A_27 = tpu.memref_squeeze %dma_start3A_26 : memref<1x640x128xf32, #tpu.memory_space<hbm>> -> memref<640x128xf32, #tpu.memory_space<hbm>>
      %dma_start3A_28 = arith.constant 0 : i32
      %dma_start3A_29 = tpu.memref_slice %arg6[%mul3A_23, %dma_start3A_28] : memref<10240x128xf32, #tpu.memory_space<vmem_shared>> -> memref<640x128xf32, #tpu.memory_space<vmem_shared>>
      tpu.enqueue_dma source(%dma_start3A_29 : memref<640x128xf32, #tpu.memory_space<vmem_shared>>) target(%dma_start3A_27 : memref<640x128xf32, #tpu.memory_space<hbm>>) target_semaphore(%run_scoped3A : memref<!tpu.dma_semaphore, #tpu.memory_space<semaphore_mem>>)
      %dma_wait3A = arith.constant 0 : i32
      %dma_wait3A_30 = tpu.memref_slice %arg5[%arg0, %mul3A_25, %dma_wait3A] : memref<2x10240x128xf32, #tpu.memory_space<hbm>> -> memref<1x640x128xf32, #tpu.memory_space<hbm>>
      %dma_wait3A_31 = tpu.memref_squeeze %dma_wait3A_30 : memref<1x640x128xf32, #tpu.memory_space<hbm>> -> memref<640x128xf32, #tpu.memory_space<hbm>>
      %dma_wait3A_32 = arith.constant 0 : i32
      %dma_wait3A_33 = tpu.memref_slice %arg6[%mul3A_23, %dma_wait3A_32] : memref<10240x128xf32, #tpu.memory_space<vmem_shared>> -> memref<640x128xf32, #tpu.memory_space<vmem_shared>>
      tpu.wait_dma2 semaphore(%run_scoped3A : memref<!tpu.dma_semaphore, #tpu.memory_space<semaphore_mem>>) src(%dma_wait3A_33 : memref<640x128xf32, #tpu.memory_space<vmem_shared>>) dst(%dma_wait3A_31 : memref<640x128xf32, #tpu.memory_space<hbm>>)
      tpu.yield
    }) : () -> ()
    return
  }
}

module attributes {stable_mosaic.version = 14 : i64} {
  func.func @body(%arg0: i32, %arg1: memref<256x2xf32, #tpu.memory_space<vmem>>, %arg2: memref<256x128xf32, #tpu.memory_space<vmem>>, %arg3: memref<256x128xf32, #tpu.memory_space<vmem>>) attributes {dimension_semantics = [#tpu.dimension_semantics<arbitrary>], iteration_bounds = array<i64: 40>, scalar_prefetch = 0 : i64, scratch_operands = 0 : i64, tpu.core_type = #tpu.core_type<tc>, window_params = [{transform_indices = @transform_0, window_bounds = array<i64: 256, 2>}, {transform_indices = @transform_1, window_bounds = array<i64: 256, 128>}, {transform_indices = @transform_2, window_bounds = array<i64: 256, 128>}]} {
    %mul3A = arith.constant 256 : i32
    %mul3A_0 = arith.muli %arg0, %mul3A : i32
    %get3A = arith.constant 0 : index
    %get3A_1 = arith.constant 0 : index
    %get3A_2 = vector.load %arg1[%get3A, %get3A_1] : memref<256x2xf32, #tpu.memory_space<vmem>>, vector<256x1xf32>
    %get3A_3 = arith.constant 0 : index
    %get3A_4 = arith.constant 1 : index
    %get3A_5 = vector.load %arg1[%get3A_3, %get3A_4] : memref<256x2xf32, #tpu.memory_space<vmem>>, vector<256x1xf32>
    %add3A = arith.addf %get3A_2, %get3A_5 : vector<256x1xf32>
    %rsqrt3A = math.rsqrt %add3A : vector<256x1xf32>
    %gt3A = arith.constant 0.000000e+00 : f32
    %gt3A_6 = vector.broadcast %gt3A : f32 to vector<256x1xf32>
    %gt3A_7 = arith.cmpf ogt, %add3A, %gt3A_6 : vector<256x1xf32>
    %iota3A = tpu.iota {dimensions = array<i32: 0>} : vector<256x1xi32>
    %add3A_8 = vector.broadcast %mul3A_0 : i32 to vector<256x1xi32>
    %add3A_9 = arith.addi %add3A_8, %iota3A : vector<256x1xi32>
    %lt3A = arith.constant 10000 : i32
    %lt3A_10 = vector.broadcast %lt3A : i32 to vector<256x1xi32>
    %lt3A_11 = arith.cmpi slt, %add3A_9, %lt3A_10 : vector<256x1xi32>
    %and3A = arith.andi %gt3A_7, %lt3A_11 : vector<256x1xi1>
    %jit3A = arith.constant 0.000000e+00 : f32
    %broadcast_in_dim3A = vector.broadcast %jit3A : f32 to vector<256x1xf32>
    %select_n3A = arith.select %and3A, %rsqrt3A, %broadcast_in_dim3A : vector<256x1xi1>, vector<256x1xf32>
    %get3A_12 = arith.constant 0 : index
    %get3A_13 = arith.constant 0 : index
    %get3A_14 = vector.load %arg2[%get3A_12, %get3A_13] : memref<256x128xf32, #tpu.memory_space<vmem>>, vector<256x128xf32>
    %mul3A_15 = vector.broadcast %select_n3A : vector<256x1xf32> to vector<256x128xf32>
    %mul3A_16 = arith.mulf %mul3A_15, %get3A_14 : vector<256x128xf32>
    %swap3A = arith.constant 0 : index
    %swap3A_17 = arith.constant 0 : index
    %swap3A_18 = vector.load %arg3[%swap3A, %swap3A_17] : memref<256x128xf32, #tpu.memory_space<vmem>>, vector<256x128xf32>
    tpu.vector_store %arg3[%swap3A, %swap3A_17], %mul3A_16 {strides = array<i32>} : memref<256x128xf32, #tpu.memory_space<vmem>>, vector<256x128xf32>,
    return
  }
  func.func @transform_0(%arg0: i32) -> (i32, i32) {
    %c0_i32 = arith.constant 0 : i32
    %c0_i32_0 = arith.constant 0 : i32
    return %arg0, %c0_i32 : i32, i32
  }
  func.func @transform_1(%arg0: i32) -> (i32, i32) {
    %c0_i32 = arith.constant 0 : i32
    %c0_i32_0 = arith.constant 0 : i32
    return %arg0, %c0_i32 : i32, i32
  }
  func.func @transform_2(%arg0: i32) -> (i32, i32) {
    %c0_i32 = arith.constant 0 : i32
    %c0_i32_0 = arith.constant 0 : i32
    return %arg0, %c0_i32 : i32, i32
  }
}

module attributes {stable_mosaic.version = 14 : i64} {
  func.func @body(%arg0: i32, %arg1: memref<256x2xf32, #tpu.memory_space<vmem>>, %arg2: memref<2x256x128xf32, #tpu.memory_space<vmem>>, %arg3: memref<128x256xf32, #tpu.memory_space<vmem>>, %arg4: memref<1x256xf32, #tpu.memory_space<vmem>>, %arg5: memref<256x128xf32, #tpu.memory_space<vmem>>, %arg6: memref<256x128xf32, #tpu.memory_space<vmem>>) attributes {dimension_semantics = [#tpu.dimension_semantics<arbitrary>], iteration_bounds = array<i64: 40>, scalar_prefetch = 0 : i64, scratch_operands = 0 : i64, tpu.core_type = #tpu.core_type<tc>, window_params = [{transform_indices = @transform_0, window_bounds = array<i64: 256, 2>}, {transform_indices = @transform_1, window_bounds = array<i64: 2, 256, 128>}, {pipeline_mode = #tpu.pipeline_mode<synchronous>, transform_indices = @transform_2, window_bounds = array<i64: 128, 256>}, {pipeline_mode = #tpu.pipeline_mode<synchronous>, transform_indices = @transform_3, window_bounds = array<i64: 1, 256>}, {pipeline_mode = #tpu.pipeline_mode<synchronous>, transform_indices = @transform_4, window_bounds = array<i64: 256, 128>}, {transform_indices = @transform_5, window_bounds = array<i64: 256, 128>}]} {
    %mul3A = arith.constant 256 : i32
    %mul3A_0 = arith.muli %arg0, %mul3A : i32
    %get3A = arith.constant 0 : index
    %get3A_1 = arith.constant 0 : index
    %get3A_2 = vector.load %arg1[%get3A, %get3A_1] : memref<256x2xf32, #tpu.memory_space<vmem>>, vector<256x1xf32>
    %get3A_3 = arith.constant 0 : index
    %get3A_4 = arith.constant 1 : index
    %get3A_5 = vector.load %arg1[%get3A_3, %get3A_4] : memref<256x2xf32, #tpu.memory_space<vmem>>, vector<256x1xf32>
    %add3A = arith.addf %get3A_2, %get3A_5 : vector<256x1xf32>
    %rsqrt3A = math.rsqrt %add3A : vector<256x1xf32>
    %gt3A = arith.constant 0.000000e+00 : f32
    %gt3A_6 = vector.broadcast %gt3A : f32 to vector<256x1xf32>
    %gt3A_7 = arith.cmpf ogt, %add3A, %gt3A_6 : vector<256x1xf32>
    %iota3A = tpu.iota {dimensions = array<i32: 0>} : vector<256x1xi32>
    %add3A_8 = vector.broadcast %mul3A_0 : i32 to vector<256x1xi32>
    %add3A_9 = arith.addi %add3A_8, %iota3A : vector<256x1xi32>
    %lt3A = arith.constant 10000 : i32
    %lt3A_10 = vector.broadcast %lt3A : i32 to vector<256x1xi32>
    %lt3A_11 = arith.cmpi slt, %add3A_9, %lt3A_10 : vector<256x1xi32>
    %and3A = arith.andi %gt3A_7, %lt3A_11 : vector<256x1xi1>
    %jit3A = arith.constant 0.000000e+00 : f32
    %broadcast_in_dim3A = vector.broadcast %jit3A : f32 to vector<256x1xf32>
    %select_n3A = arith.select %and3A, %rsqrt3A, %broadcast_in_dim3A : vector<256x1xi1>, vector<256x1xf32>
    %get3A_12 = arith.constant 0 : index
    %get3A_13 = arith.constant 0 : index
    %get3A_14 = arith.constant 0 : index
    %get3A_15 = vector.load %arg2[%get3A_12, %get3A_13, %get3A_14] : memref<2x256x128xf32, #tpu.memory_space<vmem>>, vector<1x256x128xf32>
    %get3A_16 = vector.shape_cast %get3A_15 : vector<1x256x128xf32> to vector<256x128xf32>
    %get3A_17 = arith.constant 1 : index
    %get3A_18 = arith.constant 0 : index
    %get3A_19 = arith.constant 0 : index
    %get3A_20 = vector.load %arg2[%get3A_17, %get3A_18, %get3A_19] : memref<2x256x128xf32, #tpu.memory_space<vmem>>, vector<1x256x128xf32>
    %get3A_21 = vector.shape_cast %get3A_20 : vector<1x256x128xf32> to vector<256x128xf32>
    %add3A_22 = arith.addf %get3A_16, %get3A_21 : vector<256x128xf32>
    %mul3A_23 = vector.broadcast %select_n3A : vector<256x1xf32> to vector<256x128xf32>
    %mul3A_24 = arith.mulf %mul3A_23, %add3A_22 : vector<256x128xf32>
    %get3A_25 = arith.constant 0 : index
    %get3A_26 = arith.constant 0 : index
    %get3A_27 = vector.load %arg3[%get3A_25, %get3A_26] : memref<128x256xf32, #tpu.memory_space<vmem>>, vector<128x256xf32>
    %dot_general3A = arith.constant dense<0.000000e+00> : vector<256x256xf32>
    %dot_general3A_28 = tpu.matmul %mul3A_24, %get3A_27, %dot_general3A {dimension_numbers = #tpu.dot_dimension_numbers<[1], [0], [0], [1], [0, 0, 1, 1], [], []>, transpose_lhs_hint = false} : vector<256x128xf32>, vector<128x256xf32>, vector<256x256xf32> -> vector<256x256xf32>
    %get3A_29 = arith.constant 0 : index
    %get3A_30 = arith.constant 0 : index
    %get3A_31 = vector.load %arg4[%get3A_29, %get3A_30] : memref<1x256xf32, #tpu.memory_space<vmem>>, vector<1x256xf32>
    %add3A_32 = vector.broadcast %get3A_31 : vector<1x256xf32> to vector<256x256xf32>
    %add3A_33 = arith.addf %dot_general3A_28, %add3A_32 : vector<256x256xf32>
    %max3A = arith.constant 0.000000e+00 : f32
    %max3A_34 = vector.broadcast %max3A : f32 to vector<256x256xf32>
    %max3A_35 = arith.maximumf %add3A_33, %max3A_34 : vector<256x256xf32>
    %get3A_36 = arith.constant 0 : index
    %get3A_37 = arith.constant 0 : index
    %get3A_38 = vector.load %arg5[%get3A_36, %get3A_37] : memref<256x128xf32, #tpu.memory_space<vmem>>, vector<256x128xf32>
    %dot_general3A_39 = arith.constant dense<0.000000e+00> : vector<256x128xf32>
    %dot_general3A_40 = tpu.matmul %max3A_35, %get3A_38, %dot_general3A_39 {dimension_numbers = #tpu.dot_dimension_numbers<[1], [0], [0], [1], [0, 0, 1, 1], [], []>, transpose_lhs_hint = false} : vector<256x256xf32>, vector<256x128xf32>, vector<256x128xf32> -> vector<256x128xf32>
    %mul3A_41 = vector.broadcast %select_n3A : vector<256x1xf32> to vector<256x128xf32>
    %mul3A_42 = arith.mulf %mul3A_41, %dot_general3A_40 : vector<256x128xf32>
    %swap3A = arith.constant 0 : index
    %swap3A_43 = arith.constant 0 : index
    %swap3A_44 = vector.load %arg6[%swap3A, %swap3A_43] : memref<256x128xf32, #tpu.memory_space<vmem>>, vector<256x128xf32>
    tpu.vector_store %arg6[%swap3A, %swap3A_43], %mul3A_42 {strides = array<i32>} : memref<256x128xf32, #tpu.memory_space<vmem>>, vector<256x128xf32>,
    return
  }
  func.func @transform_0(%arg0: i32) -> (i32, i32) {
    %c0_i32 = arith.constant 0 : i32
    %c0_i32_0 = arith.constant 0 : i32
    return %arg0, %c0_i32 : i32, i32
  }
  func.func @transform_1(%arg0: i32) -> (i32, i32, i32) {
    %c0_i32 = arith.constant 0 : i32
    %c0_i32_0 = arith.constant 0 : i32
    %c0_i32_1 = arith.constant 0 : i32
    return %c0_i32, %arg0, %c0_i32_0 : i32, i32, i32
  }
  func.func @transform_2(%arg0: i32) -> (i32, i32) {
    %c0_i32 = arith.constant 0 : i32
    %c0_i32_0 = arith.constant 0 : i32
    %c0_i32_1 = arith.constant 0 : i32
    return %c0_i32, %c0_i32_0 : i32, i32
  }
  func.func @transform_3(%arg0: i32) -> (i32, i32) {
    %c0_i32 = arith.constant 0 : i32
    %c0_i32_0 = arith.constant 0 : i32
    %c0_i32_1 = arith.constant 0 : i32
    return %c0_i32, %c0_i32_0 : i32, i32
  }
  func.func @transform_4(%arg0: i32) -> (i32, i32) {
    %c0_i32 = arith.constant 0 : i32
    %c0_i32_0 = arith.constant 0 : i32
    %c0_i32_1 = arith.constant 0 : i32
    return %c0_i32, %c0_i32_0 : i32, i32
  }
  func.func @transform_5(%arg0: i32) -> (i32, i32) {
    %c0_i32 = arith.constant 0 : i32
    %c0_i32_0 = arith.constant 0 : i32
    return %arg0, %c0_i32 : i32, i32
  }
}

module attributes {stable_mosaic.version = 14 : i64} {
  func.func @body(%arg0: i32, %arg1: memref<2000x2xf32, #tpu.memory_space<vmem>>, %arg2: memref<2x2000x128xf32, #tpu.memory_space<vmem>>, %arg3: memref<1x128xf32, #tpu.memory_space<vmem>>, %arg4: memref<2000x128xf32, #tpu.memory_space<vmem>>) attributes {dimension_semantics = [#tpu.dimension_semantics<arbitrary>], iteration_bounds = array<i64: 5>, scalar_prefetch = 0 : i64, scratch_operands = 0 : i64, tpu.core_type = #tpu.core_type<tc>, window_params = [{transform_indices = @transform_0, window_bounds = array<i64: 2000, 2>}, {transform_indices = @transform_1, window_bounds = array<i64: 2, 2000, 128>}, {pipeline_mode = #tpu.pipeline_mode<synchronous>, transform_indices = @transform_2, window_bounds = array<i64: 1, 128>}, {transform_indices = @transform_3, window_bounds = array<i64: 2000, 128>}]} {
    %get3A = arith.constant 0 : index
    %get3A_0 = arith.constant 0 : index
    %get3A_1 = vector.load %arg1[%get3A, %get3A_0] : memref<2000x2xf32, #tpu.memory_space<vmem>>, vector<2000x1xf32>
    %get3A_2 = arith.constant 0 : index
    %get3A_3 = arith.constant 1 : index
    %get3A_4 = vector.load %arg1[%get3A_2, %get3A_3] : memref<2000x2xf32, #tpu.memory_space<vmem>>, vector<2000x1xf32>
    %add3A = arith.addf %get3A_1, %get3A_4 : vector<2000x1xf32>
    %rsqrt3A = math.rsqrt %add3A : vector<2000x1xf32>
    %gt3A = arith.constant 0.000000e+00 : f32
    %gt3A_5 = vector.broadcast %gt3A : f32 to vector<2000x1xf32>
    %gt3A_6 = arith.cmpf ogt, %add3A, %gt3A_5 : vector<2000x1xf32>
    %jit3A = arith.constant 0.000000e+00 : f32
    %broadcast_in_dim3A = vector.broadcast %jit3A : f32 to vector<2000x1xf32>
    %select_n3A = arith.select %gt3A_6, %rsqrt3A, %broadcast_in_dim3A : vector<2000x1xi1>, vector<2000x1xf32>
    %get3A_7 = arith.constant 0 : index
    %get3A_8 = arith.constant 0 : index
    %get3A_9 = arith.constant 0 : index
    %get3A_10 = vector.load %arg2[%get3A_7, %get3A_8, %get3A_9] : memref<2x2000x128xf32, #tpu.memory_space<vmem>>, vector<1x2000x128xf32>
    %get3A_11 = vector.shape_cast %get3A_10 : vector<1x2000x128xf32> to vector<2000x128xf32>
    %get3A_12 = arith.constant 1 : index
    %get3A_13 = arith.constant 0 : index
    %get3A_14 = arith.constant 0 : index
    %get3A_15 = vector.load %arg2[%get3A_12, %get3A_13, %get3A_14] : memref<2x2000x128xf32, #tpu.memory_space<vmem>>, vector<1x2000x128xf32>
    %get3A_16 = vector.shape_cast %get3A_15 : vector<1x2000x128xf32> to vector<2000x128xf32>
    %add3A_17 = arith.addf %get3A_11, %get3A_16 : vector<2000x128xf32>
    %mul3A = vector.broadcast %select_n3A : vector<2000x1xf32> to vector<2000x128xf32>
    %mul3A_18 = arith.mulf %mul3A, %add3A_17 : vector<2000x128xf32>
    %get3A_19 = arith.constant 0 : index
    %get3A_20 = arith.constant 0 : index
    %get3A_21 = vector.load %arg3[%get3A_19, %get3A_20] : memref<1x128xf32, #tpu.memory_space<vmem>>, vector<1x128xf32>
    %add3A_22 = vector.broadcast %get3A_21 : vector<1x128xf32> to vector<2000x128xf32>
    %add3A_23 = arith.addf %mul3A_18, %add3A_22 : vector<2000x128xf32>
    %max3A = arith.constant 0.000000e+00 : f32
    %max3A_24 = vector.broadcast %max3A : f32 to vector<2000x128xf32>
    %max3A_25 = arith.maximumf %add3A_23, %max3A_24 : vector<2000x128xf32>
    %swap3A = arith.constant 0 : index
    %swap3A_26 = arith.constant 0 : index
    %swap3A_27 = vector.load %arg4[%swap3A, %swap3A_26] : memref<2000x128xf32, #tpu.memory_space<vmem>>, vector<2000x128xf32>
    tpu.vector_store %arg4[%swap3A, %swap3A_26], %max3A_25 {strides = array<i32>} : memref<2000x128xf32, #tpu.memory_space<vmem>>, vector<2000x128xf32>,
    return
  }
  func.func @transform_0(%arg0: i32) -> (i32, i32) {
    %c0_i32 = arith.constant 0 : i32
    %c0_i32_0 = arith.constant 0 : i32
    return %arg0, %c0_i32 : i32, i32
  }
  func.func @transform_1(%arg0: i32) -> (i32, i32, i32) {
    %c0_i32 = arith.constant 0 : i32
    %c0_i32_0 = arith.constant 0 : i32
    %c0_i32_1 = arith.constant 0 : i32
    return %c0_i32, %arg0, %c0_i32_0 : i32, i32, i32
  }
  func.func @transform_2(%arg0: i32) -> (i32, i32) {
    %c0_i32 = arith.constant 0 : i32
    %c0_i32_0 = arith.constant 0 : i32
    %c0_i32_1 = arith.constant 0 : i32
    return %c0_i32, %c0_i32_0 : i32, i32
  }
  func.func @transform_3(%arg0: i32) -> (i32, i32) {
    %c0_i32 = arith.constant 0 : i32
    %c0_i32_0 = arith.constant 0 : i32
    return %arg0, %c0_i32 : i32, i32
  }
}

</mosaic_0001>

<sc_bundles>
// kernel: kernel.11.cloned.1.call-start
scs
__scs_entry_jumppad:
0x0: {  	(pc) =	sbr.rel $0x88, $3  }
0x1: {  	(tag) =	ssettag $0x0;
	lr =	simm.s32 $0x1  }
0x2: {  	[smem:$0x3F9B] =	sst lr;
	_ =	strace $0xD0000000  }
0x3: {  	_ = 	snop  }
0x4: {  	_ = 	snop  }
0x5: {  	_ = 	snop  }
0x6: {  	_ = 	snop  }
0x7: {  	_ = 	snop  }
__scs_overlays_trampoline_lowered:
0x8: {  	[smem:$0x3FAA] =	sst s0  }
0x9: {  	[smem:$0x3FAB] =	sst s1  }
0xa: {  	[smem:$0x3FAC] =	sst s2  }
0xb: {  	[smem:$0x3FAD] =	sst s3  }
0xc: {  	[smem:$0x3FAE] =	sst s4  }
0xd: {  	[smem:$0x3FAF] =	sst s5  }
0xe: {  	[smem:$0x3FB0] =	sst s6  }
0xf: {  	[smem:$0x3FB1] =	sst s7  }
0x10: {  	[smem:$0x3FB2] =	sst s8  }
0x11: {  	[smem:$0x3FB3] =	sst s9;
	s0 =	simm.s32 @!p0 $0x0  }
0x12: {  	s1 =	sld [smem:$0x3F99];
	s0 =	simm.s32 @p0 $0x1  }
0x13: {  	[smem:$0x3FB4] =	sst s0;
	s0 =	simm.s32 @!p1 $0x0  }
0x14: {  	s2 =	sld [smem:$0x3F98];
	s0 =	simm.s32 @p1 $0x1  }
0x15: {  	[smem:$0x3FB5] =	sst s0;
	s0 =	simm.s32 @!p2 $0x0  }
0x16: {  	s3 =	sld [smem:$0x3FDB];
	s0 =	simm.s32 @p2 $0x1  }
0x17: {  	s4 =	simm.s32 $0x1BF5;
	[smem:$0x3FB7] =	sst s0  }
0x18: {  	s0 =	sld [smem:$0x3F9A];
	_ =	swait.ge [sflag:s4], $0x0  }
0x19: {  	s7 =	sld [smem:$0x3F9B]  }
0x1a: {  	s8 =	sadd.s32 $0xFFFFE003, lr  }
0x1b: {  	s9 =	sadd.s32 $0xFFFFFEF7, lr;
	s5 =	simm.s32 $0xFFFFFFFF;
	p2 =	slt.u32 s8, $0xFFFFF086  }
0x1c: {  	p1 =	slt.u32 s9, $0xF7A;
	s5 =	simm.s32 @!p2 $0x0  }
0x1d: {  	s5 =	simm.s32 @p1 $0x1;
	p0 =	seq.s32 s7, s2  }
0x1e: {  	s7 =	smul.u32 @!p0 $0xF7A, s2;
	p2 =	seq.s32 @!p0 s5, $0x0  }
0x1f: {  	s9 =	smul.u32 $0xF7A, s1;
	s8 =	simm.s32 @!p0 $0x1BF5;
	p2 =	por !p2, p0  }
0x20: {  	[sflag:s8] =	ssyncset.s32 @!p0 $0xFFFFF086;
	s6 =	sadd.s32 @!p0 s3, s7;
	s7 =	simm.s32 @!p0 $0x108  }
0x21: {  	s3 =	sadd.s32 s3, s9;
	s6 =	sadd.s32 @!p0 $0x88, s6;
	s7 =	simm.s32 @p2 $0x1082  }
0x22: {  	[simem:s7], [sflag:s8] =	dma.local @!p0 [hbm:s6], $0xF7A  }
0x23: {  	s9 =	sor.u32 $0xD0000000, s2;
	s6 =	simm.s32 $0x108;
	_ =	swait.ge @!p0 [sflag:s8], $0x0  }
0x24: {  	s3 =	sadd.s32 $0x88, s3;
	s6 =	simm.s32 @!p1 $0x1082;
	[sflag:s4] =	ssyncset.s32 $0xFFFFF086  }
0x25: {  	[simem:s6], [sflag:s4] =	dma.local [hbm:s3], $0xF7A  }
0x26: {  	[smem:$0x3F9B] =	sst s1;
	(tag) =	ssettag s2;
	_ =	strace s9  }
0x27: {  	s1 =	sld [smem:$0x3FAB]  }
0x28: {  	s2 =	sld [smem:$0x3FAC]  }
0x29: {  	s4 =	sld [smem:$0x3FAE]  }
0x2a: {  	p0 =	seq.s32 s5, $0x0;
	s5 =	sld [smem:$0x3FAF]  }
0x2b: {  	s6 =	sld [smem:$0x3FB0]  }
0x2c: {  	s7 =	sld [smem:$0x3FB1]  }
0x2d: {  	s3 =	simm.s32 $0x108;
	s8 =	sld [smem:$0x3FB2]  }
0x2e: {  	s3 =	simm.s32 @!p0 $0x1082;
	s9 =	sld [smem:$0x3FB3]  }
0x2f: {  	lr =	sadd.s32 s0, s3;
	s0 =	sld [smem:$0x3FAA]  }
0x30: {  	s3 =	sld [smem:$0x3FAD]  }
0x31: {  	[smem:$0x3FB6] =	sst s10  }
0x32: {  	s10 =	sld [smem:$0x3FB4];
	_ =	sdelay $0x3  }
0x33: {  	p0 =	seq.s32 s10, $0x1;
	s10 =	sld [smem:$0x3FB6];
	_ =	sdelay $0x3  }
0x34: {  	[smem:$0x3FB6] =	sst s10  }
0x35: {  	s10 =	sld [smem:$0x3FB5];
	_ =	sdelay $0x3  }
0x36: {  	p1 =	seq.s32 s10, $0x1;
	s10 =	sld [smem:$0x3FB6];
	_ =	sdelay $0x3  }
0x37: {  	[smem:$0x3FB6] =	sst s10  }
0x38: {  	s10 =	sld [smem:$0x3FB7]  }
0x39: {  	_ = 	snop;
	(pc) =	sbr.ind lr, $3  }
0x3a: {  	_ = 	snop  }
0x3b: {  	_ = 	snop  }
0x3c: {  	p2 =	seq.s32 s10, $0x1;
	s10 =	sld [smem:$0x3FB6]  }
0x3d: {  	_ =	shalt  }
0x3e: {  	_ =	shalt  }
0x3f: {  	_ =	shalt  }
0x40: {  	_ =	shalt  }
0x41: {  	_ =	shalt  }
0x42: {  	_ =	shalt  }
0x43: {  	_ =	shalt  }
0x44: {  	_ =	shalt  }
0x45: {  	_ =	shalt  }
0x46: {  	_ =	shalt  }
0x47: {  	_ =	shalt  }
0x48: {  	_ =	shalt  }
0x49: {  	_ =	shalt  }
0x4a: {  	_ =	shalt  }
0x4b: {  	_ =	shalt  }
0x4c: {  	_ =	shalt  }
0x4d: {  	_ =	shalt  }
0x4e: {  	_ =	shalt  }
0x4f: {  	_ =	shalt  }
0x50: {  	_ =	shalt  }
0x51: {  	_ =	shalt  }
0x52: {  	_ =	shalt  }
0x53: {  	_ =	shalt  }
0x54: {  	_ =	shalt  }
0x55: {  	_ =	shalt  }
0x56: {  	_ =	shalt  }
0x57: {  	_ =	shalt  }
0x58: {  	_ =	shalt  }
0x59: {  	_ =	shalt  }
0x5a: {  	_ =	shalt  }
0x5b: {  	_ =	shalt  }
0x5c: {  	_ =	shalt  }
0x5d: {  	_ =	shalt  }
0x5e: {  	_ =	shalt  }
0x5f: {  	_ =	shalt  }
0x60: {  	_ =	shalt  }
0x61: {  	_ =	shalt  }
0x62: {  	_ =	shalt  }
0x63: {  	_ =	shalt  }
0x64: {  	_ =	shalt  }
0x65: {  	_ =	shalt  }
0x66: {  	_ =	shalt  }
0x67: {  	_ =	shalt  }
0x68: {  	_ =	shalt  }
0x69: {  	_ =	shalt  }
0x6a: {  	_ =	shalt  }
0x6b: {  	_ =	shalt  }
0x6c: {  	_ =	shalt  }
0x6d: {  	_ =	shalt  }
0x6e: {  	_ =	shalt  }
0x6f: {  	_ =	shalt  }
0x70: {  	_ =	shalt  }
0x71: {  	_ =	shalt  }
0x72: {  	_ =	shalt  }
0x73: {  	_ =	shalt  }
0x74: {  	_ =	shalt  }
0x75: {  	_ =	shalt  }
0x76: {  	_ =	shalt  }
0x77: {  	_ =	shalt  }
0x78: {  	_ =	shalt  }
0x79: {  	_ =	shalt  }
0x7a: {  	_ =	shalt  }
0x7b: {  	_ =	shalt  }
0x7c: {  	_ =	shalt  }
0x7d: {  	_ =	shalt  }
0x7e: {  	_ =	shalt  }
0x7f: {  	_ =	shalt  }
0x80: {  	_ =	shalt  }
0x81: {  	_ =	shalt  }
0x82: {  	_ =	shalt  }
0x83: {  	_ =	shalt  }
0x84: {  	_ =	shalt  }
0x85: {  	_ =	shalt  }
0x86: {  	_ =	shalt  }
0x87: {  	_ =	shalt  }
.Lfunc_end0:
.L_simem_size_0:
called_computation.1_lowered:
.L_overlay_start_0:
0x88: {  	s2 =	sld [smem:$0x3FD9]  }
0x89: {  	s3 =	sld [smem:$0x3FFE];
	_ =	sdelay $0x1  }
0x8a: {  	s1 =	srdreg.scid  }
0x8b: {  	s0 =	sand.u32 $0x1, s1  }
0x8c: {  	s17 =	sshll.u32 s0, $0xA;
	s2 =	sadd.s32 s3, s2  }
0x8d: {  	s2 =	sadd.s32 s2, s17  }
0x8e: {  	[smem:$0x3FC2] =	sst s2  }
0x8f: {  	_ = 	snop  }
0x90: {  	s2 =	sld [smem:$0x3FD0];
	(tm) =	ssettm $0x1  }
0x91: {  	s18 =	sld [smem:$0x3FFB];
	_ =	sdelay $0x3  }
0x92: {  	_ =	strace s18  }
0x93: {  	s3 =	sld [smem:$0x3FFC];
	_ =	sdelay $0x3  }
0x94: {  	_ =	strace s3  }
0x95: {  	s3 =	sld [smem:$0x3FFD];
	_ =	sdelay $0x3  }
0x96: {  	_ =	strace s3  }
0x97: {  	_ =	strace $0x8FFFFFFF  }
0x98: {  	s19 =	sld [smem:$0x3FDB];
	_ =	sdelay $0x1  }
0x99: {  	s4 =	simm.s32 $_scs_section_size  }
0x9a: {  	s5 =	simm.s32 $_size__tile_overlayer_lowered;
	s6 =	simm.s32 $_tile_overlayer_lowered  }
0x9b: {  	s22 =	simm.s32 $0x1BFF;
	s21 =	sshll.u32 s6, $0x1;
	s3 =	sadd.s32 s4, s19  }
0x9c: {  	s7 =	simm.s32 $0x0;
	s20 =	sshll.u32 s5, $0x1;
	s5 =	sadd.s32 s21, s3  }
0x9d: {  	[timem:s7], [sflag:s22] =	dma.local [hbm:s5], s20  }
0x9e: {  	_ =	swait.ge [sflag:s22], s20  }
0x9f: {  	s4 =	ssub.s32 $0x0, s20;
	[sflag:s22] =	ssyncset.done $0x0  }
0xa0: {  	[sflag:s22] =	ssyncadd.s32 s4;
	_ =	sdelay $0x1  }
0xa1: {  	s23 =	simm.s32 $0x1B8B  }
0xa2: {  	_ =	swait.ge [sflag:s23], $0x1  }
0xa3: {  	[sflag:s23] =	ssyncset.done $0x0  }
0xa4: {  	s25 =	simm.s32 $0x1B8E;
	s24 =	sld [smem:$0x3FFE];
	[sflag:s23] =	ssyncadd.s32 $0xFFFFFFFF  }
0xa5: {  	s26 =	simm.s32 $execute0_lowered;
	[smem:$0x3FD2] =	sst s25  }
0xa6: {  	s5 =	sshll.u32 s26, $0x1;
	_ =	strace $0x80000049;
	[dreg:$0x1] =	wrdreg $0xFFFFFFFF  }
0xa7: {  	s28 =	simm.s32 $_size_execute0_lowered;
	s3 =	sadd.s32 s3, s5;
	[dreg:$0x0] =	wrdreg $0x0  }
0xa8: {  	s5 =	sshll.u32 s28, $0x1;
	[dreg:$0x2] =	wrdreg s3  }
0xa9: {  	[dreg:$0x3] =	wrdreg s5  }
0xaa: {  	[dreg:$0x4] =	wrdreg $0xC0  }
0xab: {  	_ =	task [dreg:s7], $0x5FFFF  }
0xac: {  	[dreg:$0x1] =	wrdreg $0xFFFFFFFF  }
0xad: {  	[dreg:$0x0] =	wrdreg $0x60  }
0xae: {  	[dreg:$0x2] =	wrdreg s24  }
0xaf: {  	[dreg:$0x3] =	wrdreg s2  }
0xb0: {  	[dreg:$0x4] =	wrdreg $0x0  }
0xb1: {  	[dreg:$0x5] =	wrdreg $0x9  }
0xb2: {  	_ =	task.clear_ibuf [dreg:s7], $0x6FFFF;
	_ =	strace $0x90000049  }
0xb3: {  	s29 =	simm.s32 $0x9;
	_ =	strace $0x8000004B  }
0xb4: {  	_ =	swait.ge [sflag:s29], $0x1  }
0xb5: {  	[sflag:s29] =	ssyncadd.s32 $0xFFFFFFFF  }
0xb6: {  	_ =	strace $0x9000004B  }
0xb7: {  	_ =	sfence  }
0xb8: {  	s30 =	sld [smem:$0x0];
	_ =	sdelay $0x2  }
0xb9: {  	s31 =	sshll.u32 s1, $0xD;
	s1 =	sshrl.u32 s1, $0x2  }
0xba: {  	s3 =	sand.u32 $0x4000, s31;
	s1 =	sadd.s32 s1, s30  }
0xbb: {  	s0 =	sor.u32 s3, s0;
	s1 =	sshll.u32 s1, $0x11  }
0xbc: {  	s0 =	sor.u32 s1, s0  }
0xbd: {  	s0 =	sadd.s32 $0x8F2B, s0  }
0xbe: {  	[sflag:s0] =	ssyncadd.remote.s32 $0x1  }
0xbf: {  	_ =	sfence.sel $0xFFFF  }
0xc0: {  	[dreg:$0x0] =	wrdreg $0xFFFFFFFF;
	(pc) =	sbr.abs _section_cstart, $3  }
0xc1: {  	[dreg:$0x1] =	wrdreg $0xFFFFFFFF  }
0xc2: {  	_ =	task.clear_ibuf [dreg:s7], $0x2FFFF;
	_ =	strace $0x9FFFFFFF  }
0xc3: {  	(tm) =	ssettm $0x7FFFFFFF  }
tec
execute0_lowered:
.L_overlay_start_1:
0x0: {  	(tag) =	ssettag $0x1  }
0x1: {  	s6 =	rddreg [dreg:$0x0]  }
0x2: {  	s7 =	rddreg [dreg:$0x1]  }
0x3: {  	s0 =	srdreg.scid;
	s2 =	rddreg [dreg:$0x2]  }
0x4: {  	s3 =	simm.s32 $0x0;
	s19 =	simm.s32 $0x19800;
	s20 =	simm.s32 $0x2  }
0x5: {  	s21 =	simm.s32 $0x14000;
	s22 =	simm.s32 $0x16C00;
	s23 =	simm.s32 $0x80  }
0x6: {  	s24 =	simm.s32 $0x1B800;
	s25 =	simm.s32 $0x1;
	s5 =	sand.u32 $0x1, s0  }
0x7: {  	s26 =	simm.s32 $0x0;
	s0 =	stileid.u32;
	s9 =	smul.u32 $0x140000, s5  }
0x8: {  	[smem:$0x7FF] =	sst s3;
	s4 =	sadd.s32 $0xD800, s6;
	s10 =	smul.u32 $0x14000, s0  }
0x9: {  	s1 =	sshll.u32 s5, $0x4;
	s12 =	smul.u32 $0x50000, s0;
	s5 =	ssub.s32 $0x2, s5  }
0xa: {  	_ =	strace $0x8000004A;
	s1 =	sor.u32 s0, s1;
	s31 =	sshrl.u32 s5, $0x1  }
0xb: {  	s8 =	smul.u32 $0x580, s1;
	s9 =	sadd.s32 s10, s9;
	s12 =	sshrl.u32 s12, $0x2  }
0xc: {  	s10 =	ssub.s32 s5, s31;
	s9 =	sshrl.u32 s9, $0x3;
	s5 =	sadd.s32 s12, s2  }
0xd: {  	s11 =	sadd.s32 s8, s6;
	s9 =	sadd.s32 s9, s6;
	s7 =	sadd.s32 s7, s8  }
0xe: {  	s12 =	sadd.s32 $0x6000, s5;
	s13 =	sadd.s32 $0x8000, s5;
	s14 =	sadd.s32 $0xA000, s5  }
0xf: {  	s15 =	sadd.s32 $0xC000, s5;
	s16 =	sadd.s32 $0xE000, s5;
	s17 =	sadd.s32 $0x10000, s5  }
0x10: {  	s18 =	sadd.s32 $0x12000, s5;
	s6 =	sadd.s32 $0x2800, s11;
	s8 =	sadd.s32 $0x35800, s9  }
0x11: {  	v0 =	vimm.f32 $0.0e+00;
	s9 =	smax.u32 s10, $0x1;
	s10 =	sadd.s32 $0x2000, s5;
	s11 =	sadd.s32 $0x4000, s5  }
.LBB2_1:
0x12: {  	s28 =	sand.u32 $0x7E00, s3  }
0x13: {  	s29 =	sand.u32 $0x70, s3;
	s30 =	sshrl.u32 s28, $0x2  }
0x14: {  	s28 =	simm.s32 $0x40;
	s30 =	sor.u32 s29, s30;
	s29 =	simm.s32 $0x0  }
.LBB2_2:
0x15: {  	p0 =	sne.s32 s28, $0x7FC0  }
0x16: {  	[tilespmem:s30+$0x19800] =	vst v0;
	s29 =	sadd.s32 $0x10, s29;
	s30 =	smov.u32 s28;
	s28 =	sadd.s32 $0x40, s28  }
.Ltmp0:
0x17: {  	(pc) =	sbr.rel @p0 .LBB2_2-.Ltmp0, $4  }
0x18: {  	_ = 	snop  }
0x19: {  	s30 =	sand.u32 $0x7E00, s30  }
0x1a: {  	s31 =	sand.u32 $0x70, s29;
	s30 =	sshrl.u32 s30, $0x2  }
0x1b: {  	s30 =	sor.u32 s31, s30  }
0x1c: {  	[tilespmem:s30+$0x19800] =	vst v0  }
0x1d: {  	[spmem:s5] =	stream.linear.scatter [tilespmem:s19], [sflag:$0x2], $0x2000, $0x38;
	[tilespmem:$0x1F800] =	vst v63  }
0x1e: {  	_ =	swait.ge [sflag:s20], $0x2000  }
0x1f: {  	[sflag:s20] =	ssyncset.done $0x0  }
0x20: {  	[sflag:s20] =	ssyncadd.s32 $0xFFFFE000  }
0x21: {  	[spmem:s10] =	stream.linear.scatter [tilespmem:s19], [sflag:$0x2], $0x2000, $0x38;
	[tilespmem:$0x1F800] =	vst v63  }
0x22: {  	_ =	swait.ge [sflag:s20], $0x2000  }
0x23: {  	[sflag:s20] =	ssyncset.done $0x0  }
0x24: {  	[sflag:s20] =	ssyncadd.s32 $0xFFFFE000  }
0x25: {  	[spmem:s11] =	stream.linear.scatter [tilespmem:s19], [sflag:$0x2], $0x2000, $0x38;
	[tilespmem:$0x1F800] =	vst v63  }
0x26: {  	_ =	swait.ge [sflag:s20], $0x2000  }
0x27: {  	[sflag:s20] =	ssyncset.done $0x0  }
0x28: {  	[sflag:s20] =	ssyncadd.s32 $0xFFFFE000  }
0x29: {  	[spmem:s12] =	stream.linear.scatter [tilespmem:s19], [sflag:$0x2], $0x2000, $0x38;
	[tilespmem:$0x1F800] =	vst v63  }
0x2a: {  	_ =	swait.ge [sflag:s20], $0x2000  }
0x2b: {  	[sflag:s20] =	ssyncset.done $0x0  }
0x2c: {  	[sflag:s20] =	ssyncadd.s32 $0xFFFFE000  }
0x2d: {  	[spmem:s13] =	stream.linear.scatter [tilespmem:s19], [sflag:$0x2], $0x2000, $0x38;
	[tilespmem:$0x1F800] =	vst v63  }
0x2e: {  	_ =	swait.ge [sflag:s20], $0x2000  }
0x2f: {  	[sflag:s20] =	ssyncset.done $0x0  }
0x30: {  	[sflag:s20] =	ssyncadd.s32 $0xFFFFE000  }
0x31: {  	[spmem:s14] =	stream.linear.scatter [tilespmem:s19], [sflag:$0x2], $0x2000, $0x38;
	[tilespmem:$0x1F800] =	vst v63  }
0x32: {  	_ =	swait.ge [sflag:s20], $0x2000  }
0x33: {  	[sflag:s20] =	ssyncset.done $0x0  }
0x34: {  	[sflag:s20] =	ssyncadd.s32 $0xFFFFE000  }
0x35: {  	[spmem:s15] =	stream.linear.scatter [tilespmem:s19], [sflag:$0x2], $0x2000, $0x38;
	[tilespmem:$0x1F800] =	vst v63  }
0x36: {  	_ =	swait.ge [sflag:s20], $0x2000  }
0x37: {  	[sflag:s20] =	ssyncset.done $0x0  }
0x38: {  	[sflag:s20] =	ssyncadd.s32 $0xFFFFE000  }
0x39: {  	[spmem:s16] =	stream.linear.scatter [tilespmem:s19], [sflag:$0x2], $0x2000, $0x38;
	[tilespmem:$0x1F800] =	vst v63  }
0x3a: {  	_ =	swait.ge [sflag:s20], $0x2000  }
0x3b: {  	[sflag:s20] =	ssyncset.done $0x0  }
0x3c: {  	[sflag:s20] =	ssyncadd.s32 $0xFFFFE000  }
0x3d: {  	[spmem:s17] =	stream.linear.scatter [tilespmem:s19], [sflag:$0x2], $0x2000, $0x38;
	[tilespmem:$0x1F800] =	vst v63  }
0x3e: {  	_ =	swait.ge [sflag:s20], $0x2000  }
0x3f: {  	[sflag:s20] =	ssyncset.done $0x0  }
0x40: {  	[sflag:s20] =	ssyncadd.s32 $0xFFFFE000  }
0x41: {  	[spmem:s18] =	stream.linear.scatter [tilespmem:s19], [sflag:$0x2], $0x2000, $0x38;
	[tilespmem:$0x1F800] =	vst v63  }
0x42: {  	_ =	swait.ge [sflag:s20], $0x2000  }
0x43: {  	[sflag:s20] =	ssyncset.done $0x0  }
0x44: {  	[sflag:s20] =	ssyncadd.s32 $0xFFFFE000  }
0x45: {  	s28 =	simm.s32 $0x0;
	[bflag:$0x0] =	sbarrier.arrive $0xFFFF  }
0x46: {  	[tilespmem:s21], [sflag:$0x2] =	stream.linear.gather [hbm4b:s6+s28], $0x2880, $0x38;
	[tilespmem:$0x1F800] =	vst v63  }
0x47: {  	_ =	swait.ge [sflag:s20], $0x2880  }
0x48: {  	[sflag:s20] =	ssyncset.done $0x0  }
0x49: {  	[sflag:s20] =	ssyncadd.s32 $0xFFFFD780  }
0x4a: {  	[tilespmem:s22], [sflag:$0x2] =	stream.linear.gather [hbm4b:s7+s28], $0x2880, $0x38;
	[tilespmem:$0x1F800] =	vst v63  }
0x4b: {  	_ =	swait.ge [sflag:s20], $0x2880  }
0x4c: {  	[sflag:s20] =	ssyncset.done $0x0  }
0x4d: {  	s28 =	simm.s32 $0x14000;
	[sflag:s20] =	ssyncadd.s32 $0xFFFFD780  }
0x4e: {  	[tilespmem:s24], [sflag:$0x1] =	stream.indirect.gather [hbm4b:s4+s23], $0x80, s28, s23, $0xb8;
	[tilespmem:$0x1F800] =	vst v63  }
0x4f: {  	_ =	swait.ge [sflag:s25], $0x4000  }
0x50: {  	[sflag:s25] =	ssyncset.done $0x0  }
0x51: {  	s28 =	simm.s32 $0x16C00;
	[sflag:s25] =	ssyncadd.s32 $0xFFFFC000  }
0x52: {  	[spmem:s2] =	stream.indirect.scatter.add.f32 [tilespmem:s24], [sflag:$0x2], $0x80, s28, s23, $0xb8;
	[tilespmem:$0x1F800] =	vst v63  }
0x53: {  	_ =	swait.ge [sflag:s20], $0x4000  }
0x54: {  	s29 =	simm.s32 $0x400;
	s28 =	simm.s32 $0x80;
	[sflag:s20] =	ssyncset.done $0x0  }
.LBB2_4:
0x55: {  	s30 =	sadd.s32 $0x14000, s28  }
0x56: {  	[sflag:s20] =	ssyncadd.s32 $0xFFFFC000;
	s31 =	smov.u32 s29;
	s1 =	sadd.s32 $0x200, s29  }
0x57: {  	[tilespmem:s24], [sflag:$0x1] =	stream.indirect.gather [hbm4b:s4+s23], $0x80, s30, s23, $0xb8;
	[tilespmem:$0x1F800] =	vst v63  }
0x58: {  	p0 =	sne.s32 s29, $0xA000;
	_ =	swait.ge [sflag:s25], $0x4000  }
.Ltmp1:
0x59: {  	[sflag:s25] =	ssyncset.done $0x0;
	(pc) =	sbr.rel @p0 .LBB2_4-.Ltmp1, $4  }
0x5a: {  	s28 =	sadd.s32 $0x16C00, s28;
	[sflag:s25] =	ssyncadd.s32 $0xFFFFC000  }
0x5b: {  	[spmem:s2] =	stream.indirect.scatter.add.f32 [tilespmem:s24], [sflag:$0x2], $0x80, s28, s23, $0xb8;
	[tilespmem:$0x1F800] =	vst v63  }
0x5c: {  	_ =	swait.ge [sflag:s20], $0x4000  }
0x5d: {  	s29 =	smov.u32 s1;
	s28 =	sshra.s32 s31, $0x2;
	[sflag:s20] =	ssyncset.done $0x0  }
0x5e: {  	s1 =	sadd.s32 $0x14000, s28;
	[sflag:s20] =	ssyncadd.s32 $0xFFFFC000  }
0x5f: {  	[tilespmem:s24], [sflag:$0x1] =	stream.indirect.gather [hbm4b:s4+s23], $0x80, s1, s23, $0xb8;
	[tilespmem:$0x1F800] =	vst v63  }
0x60: {  	_ =	swait.ge [sflag:s25], $0x4000  }
0x61: {  	[sflag:s25] =	ssyncset.done $0x0  }
0x62: {  	s29 =	sadd.s32 $0x16C00, s28;
	[sflag:s25] =	ssyncadd.s32 $0xFFFFC000  }
0x63: {  	[spmem:s2] =	stream.indirect.scatter.add.f32 [tilespmem:s24], [sflag:$0x2], $0x80, s29, s23, $0xb8;
	[tilespmem:$0x1F800] =	vst v63  }
0x64: {  	_ =	swait.ge [sflag:s20], $0x4000  }
0x65: {  	s30 =	sshll.u32 s0, $0x6;
	s26 =	sadd.s32 $0x1, s26;
	[sflag:s20] =	ssyncset.done $0x0  }
0x66: {  	s31 =	sshrl.u32 s5, $0x3;
	p0 =	sne.s32 s26, s9;
	[sflag:s20] =	ssyncadd.s32 $0xFFFFC000  }
.Ltmp2:
0x67: {  	s1 =	sor.u32 $0x1C02, s30;
	[bflag:$0x0] =	sbarrier.arrive $0xFFFF;
	(pc) =	sbr.rel @p0 .LBB2_1-.Ltmp2, $4  }
0x68: {  	[hbm:s8], [sflag:s1] =	dma.local [spmem:s31], $0x2800  }
0x69: {  	_ =	swait.ge [sflag:s20], $0x2800  }
0x6a: {  	[sflag:s20] =	ssyncset.done $0x0  }
0x6b: {  	[sflag:s20] =	ssyncadd.s32 $0xFFFFD800  }
0x6c: {  	_ =	sfence.sel $0x180000  }
0x6d: {  	[bflag:$0x0] =	sbarrier.arrive $0xFFFF  }
0x6e: {  	_ =	strace $0x9000004A  }
0x6f: {  	[bflag:$0x2] =	sbarrier.arrive $0xFFFF  }
0x70: {  	p0 =	sne.s32 s0, $0x0;
	s0 =	rddreg [dreg:$0x3]  }
0x71: {  	s0 =	sadd.s32 @!p0 $0x100000, s0  }
0x72: {  	[sflag:s0] =	ssyncadd.tile.s32 @!p0 $0x1;
	_ =	shalt  }
.Lfunc_end2:
_tile_overlayer_lowered:
.L_overlay_start_2:
0x73: {  	(tag) =	ssettag $0x2  }
0x74: {  	s0 =	rddreg [dreg:$0x0];
	s2 =	stileid.u32  }
0x75: {  	s1 =	rddreg [dreg:$0x1];
	p0 =	sne.s32 s2, $0x0  }
0x76: {  	s3 =	rddreg [dreg:$0x2];
	[bflag:$0x3] =	sbarrier.arrive $0xFFFF;
	s2 =	simm.s32 @!p0 $0x1C02  }
0x77: {  	[timem:s3], [sflag:s2] =	dma.local @!p0 [hbm:s0], s1  }
0x78: {  	s0 =	simm.s32 @!p0 $0x2  }
0x79: {  	_ =	swait.ge @!p0 [sflag:s0], s1  }
0x7a: {  	s1 =	ssub.s32 @!p0 $0x0, s1;
	[sflag:s0] =	ssyncset.done @!p0 $0x0  }
0x7b: {  	[sflag:s0] =	ssyncadd.s32 @!p0 s1  }
0x7c: {  	[bflag:$0x3] =	sbarrier.arrive $0xFFFF  }
0x7d: {  	_ =	shalt  }

// kernel: kernel.14.cloned.1.call-start
scs
__scs_entry_jumppad:
0x0: {  	(pc) =	sbr.rel $0x88, $3  }
0x1: {  	(tag) =	ssettag $0x0;
	lr =	simm.s32 $0x1  }
0x2: {  	[smem:$0x3F9B] =	sst lr;
	_ =	strace $0xD0000000  }
0x3: {  	_ = 	snop  }
0x4: {  	_ = 	snop  }
0x5: {  	_ = 	snop  }
0x6: {  	_ = 	snop  }
0x7: {  	_ = 	snop  }
__scs_overlays_trampoline_lowered:
0x8: {  	[smem:$0x3FAA] =	sst s0  }
0x9: {  	[smem:$0x3FAB] =	sst s1  }
0xa: {  	[smem:$0x3FAC] =	sst s2  }
0xb: {  	[smem:$0x3FAD] =	sst s3  }
0xc: {  	[smem:$0x3FAE] =	sst s4  }
0xd: {  	[smem:$0x3FAF] =	sst s5  }
0xe: {  	[smem:$0x3FB0] =	sst s6  }
0xf: {  	[smem:$0x3FB1] =	sst s7  }
0x10: {  	[smem:$0x3FB2] =	sst s8  }
0x11: {  	[smem:$0x3FB3] =	sst s9;
	s0 =	simm.s32 @!p0 $0x0  }
0x12: {  	s1 =	sld [smem:$0x3F99];
	s0 =	simm.s32 @p0 $0x1  }
0x13: {  	[smem:$0x3FB4] =	sst s0;
	s0 =	simm.s32 @!p1 $0x0  }
0x14: {  	s2 =	sld [smem:$0x3F98];
	s0 =	simm.s32 @p1 $0x1  }
0x15: {  	[smem:$0x3FB5] =	sst s0;
	s0 =	simm.s32 @!p2 $0x0  }
0x16: {  	s3 =	sld [smem:$0x3FDB];
	s0 =	simm.s32 @p2 $0x1  }
0x17: {  	s4 =	simm.s32 $0x1BF5;
	[smem:$0x3FB7] =	sst s0  }
0x18: {  	s0 =	sld [smem:$0x3F9A];
	_ =	swait.ge [sflag:s4], $0x0  }
0x19: {  	s7 =	sld [smem:$0x3F9B]  }
0x1a: {  	s8 =	sadd.s32 $0xFFFFE003, lr  }
0x1b: {  	s9 =	sadd.s32 $0xFFFFFEF7, lr;
	s5 =	simm.s32 $0xFFFFFFFF;
	p2 =	slt.u32 s8, $0xFFFFF086  }
0x1c: {  	p1 =	slt.u32 s9, $0xF7A;
	s5 =	simm.s32 @!p2 $0x0  }
0x1d: {  	s5 =	simm.s32 @p1 $0x1;
	p0 =	seq.s32 s7, s2  }
0x1e: {  	s7 =	smul.u32 @!p0 $0xF7A, s2;
	p2 =	seq.s32 @!p0 s5, $0x0  }
0x1f: {  	s9 =	smul.u32 $0xF7A, s1;
	s8 =	simm.s32 @!p0 $0x1BF5;
	p2 =	por !p2, p0  }
0x20: {  	[sflag:s8] =	ssyncset.s32 @!p0 $0xFFFFF086;
	s6 =	sadd.s32 @!p0 s3, s7;
	s7 =	simm.s32 @!p0 $0x108  }
0x21: {  	s3 =	sadd.s32 s3, s9;
	s6 =	sadd.s32 @!p0 $0x88, s6;
	s7 =	simm.s32 @p2 $0x1082  }
0x22: {  	[simem:s7], [sflag:s8] =	dma.local @!p0 [hbm:s6], $0xF7A  }
0x23: {  	s9 =	sor.u32 $0xD0000000, s2;
	s6 =	simm.s32 $0x108;
	_ =	swait.ge @!p0 [sflag:s8], $0x0  }
0x24: {  	s3 =	sadd.s32 $0x88, s3;
	s6 =	simm.s32 @!p1 $0x1082;
	[sflag:s4] =	ssyncset.s32 $0xFFFFF086  }
0x25: {  	[simem:s6], [sflag:s4] =	dma.local [hbm:s3], $0xF7A  }
0x26: {  	[smem:$0x3F9B] =	sst s1;
	(tag) =	ssettag s2;
	_ =	strace s9  }
0x27: {  	s1 =	sld [smem:$0x3FAB]  }
0x28: {  	s2 =	sld [smem:$0x3FAC]  }
0x29: {  	s4 =	sld [smem:$0x3FAE]  }
0x2a: {  	p0 =	seq.s32 s5, $0x0;
	s5 =	sld [smem:$0x3FAF]  }
0x2b: {  	s6 =	sld [smem:$0x3FB0]  }
0x2c: {  	s7 =	sld [smem:$0x3FB1]  }
0x2d: {  	s3 =	simm.s32 $0x108;
	s8 =	sld [smem:$0x3FB2]  }
0x2e: {  	s3 =	simm.s32 @!p0 $0x1082;
	s9 =	sld [smem:$0x3FB3]  }
0x2f: {  	lr =	sadd.s32 s0, s3;
	s0 =	sld [smem:$0x3FAA]  }
0x30: {  	s3 =	sld [smem:$0x3FAD]  }
0x31: {  	[smem:$0x3FB6] =	sst s10  }
0x32: {  	s10 =	sld [smem:$0x3FB4];
	_ =	sdelay $0x3  }
0x33: {  	p0 =	seq.s32 s10, $0x1;
	s10 =	sld [smem:$0x3FB6];
	_ =	sdelay $0x3  }
0x34: {  	[smem:$0x3FB6] =	sst s10  }
0x35: {  	s10 =	sld [smem:$0x3FB5];
	_ =	sdelay $0x3  }
0x36: {  	p1 =	seq.s32 s10, $0x1;
	s10 =	sld [smem:$0x3FB6];
	_ =	sdelay $0x3  }
0x37: {  	[smem:$0x3FB6] =	sst s10  }
0x38: {  	s10 =	sld [smem:$0x3FB7]  }
0x39: {  	_ = 	snop;
	(pc) =	sbr.ind lr, $3  }
0x3a: {  	_ = 	snop  }
0x3b: {  	_ = 	snop  }
0x3c: {  	p2 =	seq.s32 s10, $0x1;
	s10 =	sld [smem:$0x3FB6]  }
0x3d: {  	_ =	shalt  }
0x3e: {  	_ =	shalt  }
0x3f: {  	_ =	shalt  }
0x40: {  	_ =	shalt  }
0x41: {  	_ =	shalt  }
0x42: {  	_ =	shalt  }
0x43: {  	_ =	shalt  }
0x44: {  	_ =	shalt  }
0x45: {  	_ =	shalt  }
0x46: {  	_ =	shalt  }
0x47: {  	_ =	shalt  }
0x48: {  	_ =	shalt  }
0x49: {  	_ =	shalt  }
0x4a: {  	_ =	shalt  }
0x4b: {  	_ =	shalt  }
0x4c: {  	_ =	shalt  }
0x4d: {  	_ =	shalt  }
0x4e: {  	_ =	shalt  }
0x4f: {  	_ =	shalt  }
0x50: {  	_ =	shalt  }
0x51: {  	_ =	shalt  }
0x52: {  	_ =	shalt  }
0x53: {  	_ =	shalt  }
0x54: {  	_ =	shalt  }
0x55: {  	_ =	shalt  }
0x56: {  	_ =	shalt  }
0x57: {  	_ =	shalt  }
0x58: {  	_ =	shalt  }
0x59: {  	_ =	shalt  }
0x5a: {  	_ =	shalt  }
0x5b: {  	_ =	shalt  }
0x5c: {  	_ =	shalt  }
0x5d: {  	_ =	shalt  }
0x5e: {  	_ =	shalt  }
0x5f: {  	_ =	shalt  }
0x60: {  	_ =	shalt  }
0x61: {  	_ =	shalt  }
0x62: {  	_ =	shalt  }
0x63: {  	_ =	shalt  }
0x64: {  	_ =	shalt  }
0x65: {  	_ =	shalt  }
0x66: {  	_ =	shalt  }
0x67: {  	_ =	shalt  }
0x68: {  	_ =	shalt  }
0x69: {  	_ =	shalt  }
0x6a: {  	_ =	shalt  }
0x6b: {  	_ =	shalt  }
0x6c: {  	_ =	shalt  }
0x6d: {  	_ =	shalt  }
0x6e: {  	_ =	shalt  }
0x6f: {  	_ =	shalt  }
0x70: {  	_ =	shalt  }
0x71: {  	_ =	shalt  }
0x72: {  	_ =	shalt  }
0x73: {  	_ =	shalt  }
0x74: {  	_ =	shalt  }
0x75: {  	_ =	shalt  }
0x76: {  	_ =	shalt  }
0x77: {  	_ =	shalt  }
0x78: {  	_ =	shalt  }
0x79: {  	_ =	shalt  }
0x7a: {  	_ =	shalt  }
0x7b: {  	_ =	shalt  }
0x7c: {  	_ =	shalt  }
0x7d: {  	_ =	shalt  }
0x7e: {  	_ =	shalt  }
0x7f: {  	_ =	shalt  }
0x80: {  	_ =	shalt  }
0x81: {  	_ =	shalt  }
0x82: {  	_ =	shalt  }
0x83: {  	_ =	shalt  }
0x84: {  	_ =	shalt  }
0x85: {  	_ =	shalt  }
0x86: {  	_ =	shalt  }
0x87: {  	_ =	shalt  }
.Lfunc_end0:
.L_simem_size_0:
called_computation.2_lowered:
.L_overlay_start_0:
0x88: {  	s2 =	sld [smem:$0x3FD9]  }
0x89: {  	s3 =	sld [smem:$0x3FFE];
	_ =	sdelay $0x1  }
0x8a: {  	s1 =	srdreg.scid  }
0x8b: {  	s0 =	sand.u32 $0x1, s1  }
0x8c: {  	s17 =	sshll.u32 s0, $0xA;
	s2 =	sadd.s32 s3, s2  }
0x8d: {  	s2 =	sadd.s32 s2, s17  }
0x8e: {  	[smem:$0x3FC2] =	sst s2  }
0x8f: {  	_ = 	snop  }
0x90: {  	s2 =	sld [smem:$0x3FD0];
	(tm) =	ssettm $0x1  }
0x91: {  	s18 =	sld [smem:$0x3FFB];
	_ =	sdelay $0x3  }
0x92: {  	_ =	strace s18  }
0x93: {  	s3 =	sld [smem:$0x3FFC];
	_ =	sdelay $0x3  }
0x94: {  	_ =	strace s3  }
0x95: {  	s3 =	sld [smem:$0x3FFD];
	_ =	sdelay $0x3  }
0x96: {  	_ =	strace s3  }
0x97: {  	_ =	strace $0x8FFFFFFF  }
0x98: {  	s19 =	sld [smem:$0x3FDB];
	_ =	sdelay $0x1  }
0x99: {  	s4 =	simm.s32 $_scs_section_size  }
0x9a: {  	s5 =	simm.s32 $_size__tile_overlayer_lowered;
	s6 =	simm.s32 $_tile_overlayer_lowered  }
0x9b: {  	s22 =	simm.s32 $0x1BFF;
	s21 =	sshll.u32 s6, $0x1;
	s3 =	sadd.s32 s4, s19  }
0x9c: {  	s7 =	simm.s32 $0x0;
	s20 =	sshll.u32 s5, $0x1;
	s5 =	sadd.s32 s21, s3  }
0x9d: {  	[timem:s7], [sflag:s22] =	dma.local [hbm:s5], s20  }
0x9e: {  	_ =	swait.ge [sflag:s22], s20  }
0x9f: {  	s4 =	ssub.s32 $0x0, s20;
	[sflag:s22] =	ssyncset.done $0x0  }
0xa0: {  	[sflag:s22] =	ssyncadd.s32 s4;
	_ =	sdelay $0x1  }
0xa1: {  	s23 =	simm.s32 $0x1B8B  }
0xa2: {  	_ =	swait.ge [sflag:s23], $0x1  }
0xa3: {  	[sflag:s23] =	ssyncset.done $0x0  }
0xa4: {  	s25 =	simm.s32 $0x1B8E;
	s24 =	sld [smem:$0x3FFE];
	[sflag:s23] =	ssyncadd.s32 $0xFFFFFFFF  }
0xa5: {  	s26 =	simm.s32 $execute0_lowered;
	[smem:$0x3FD2] =	sst s25  }
0xa6: {  	s5 =	sshll.u32 s26, $0x1;
	_ =	strace $0x8000004C;
	[dreg:$0x1] =	wrdreg $0xFFFFFFFF  }
0xa7: {  	s28 =	simm.s32 $_size_execute0_lowered;
	s3 =	sadd.s32 s3, s5;
	[dreg:$0x0] =	wrdreg $0x0  }
0xa8: {  	s5 =	sshll.u32 s28, $0x1;
	[dreg:$0x2] =	wrdreg s3  }
0xa9: {  	[dreg:$0x3] =	wrdreg s5  }
0xaa: {  	[dreg:$0x4] =	wrdreg $0xC0  }
0xab: {  	_ =	task [dreg:s7], $0x5FFFF  }
0xac: {  	[dreg:$0x1] =	wrdreg $0xFFFFFFFF  }
0xad: {  	[dreg:$0x0] =	wrdreg $0x60  }
0xae: {  	[dreg:$0x2] =	wrdreg s24  }
0xaf: {  	[dreg:$0x3] =	wrdreg s2  }
0xb0: {  	[dreg:$0x4] =	wrdreg $0x0  }
0xb1: {  	[dreg:$0x5] =	wrdreg $0x9  }
0xb2: {  	_ =	task.clear_ibuf [dreg:s7], $0x6FFFF;
	_ =	strace $0x9000004C  }
0xb3: {  	s29 =	simm.s32 $0x9;
	_ =	strace $0x8000004E  }
0xb4: {  	_ =	swait.ge [sflag:s29], $0x1  }
0xb5: {  	[sflag:s29] =	ssyncadd.s32 $0xFFFFFFFF  }
0xb6: {  	_ =	strace $0x9000004E  }
0xb7: {  	_ =	sfence  }
0xb8: {  	s30 =	sld [smem:$0x0];
	_ =	sdelay $0x2  }
0xb9: {  	s31 =	sshll.u32 s1, $0xD;
	s1 =	sshrl.u32 s1, $0x2  }
0xba: {  	s3 =	sand.u32 $0x4000, s31;
	s1 =	sadd.s32 s1, s30  }
0xbb: {  	s0 =	sor.u32 s3, s0;
	s1 =	sshll.u32 s1, $0x11  }
0xbc: {  	s0 =	sor.u32 s1, s0  }
0xbd: {  	s0 =	sadd.s32 $0x8F2B, s0  }
0xbe: {  	[sflag:s0] =	ssyncadd.remote.s32 $0x1  }
0xbf: {  	_ =	sfence.sel $0xFFFF  }
0xc0: {  	[dreg:$0x0] =	wrdreg $0xFFFFFFFF;
	(pc) =	sbr.abs _section_cstart, $3  }
0xc1: {  	[dreg:$0x1] =	wrdreg $0xFFFFFFFF  }
0xc2: {  	_ =	task.clear_ibuf [dreg:s7], $0x2FFFF;
	_ =	strace $0x9FFFFFFF  }
0xc3: {  	(tm) =	ssettm $0x7FFFFFFF  }
tec
execute0_lowered:
.L_overlay_start_1:
0x0: {  	(tag) =	ssettag $0x1  }
0x1: {  	s6 =	rddreg [dreg:$0x0]  }
0x2: {  	s7 =	rddreg [dreg:$0x1]  }
0x3: {  	s0 =	srdreg.scid;
	s2 =	rddreg [dreg:$0x2]  }
0x4: {  	s3 =	simm.s32 $0x0;
	s19 =	simm.s32 $0x19800;
	s20 =	simm.s32 $0x2  }
0x5: {  	s21 =	simm.s32 $0x14000;
	s22 =	simm.s32 $0x16C00;
	s23 =	simm.s32 $0x80  }
0x6: {  	s24 =	simm.s32 $0x1B800;
	s25 =	simm.s32 $0x1;
	s5 =	sand.u32 $0x1, s0  }
0x7: {  	s26 =	simm.s32 $0x0;
	s0 =	stileid.u32;
	s9 =	smul.u32 $0x140000, s5  }
0x8: {  	[smem:$0x7FF] =	sst s3;
	s4 =	sadd.s32 $0xD800, s6;
	s10 =	smul.u32 $0x14000, s0  }
0x9: {  	s1 =	sshll.u32 s5, $0x4;
	s12 =	smul.u32 $0x50000, s0;
	s5 =	ssub.s32 $0x2, s5  }
0xa: {  	_ =	strace $0x8000004D;
	s1 =	sor.u32 s0, s1;
	s31 =	sshrl.u32 s5, $0x1  }
0xb: {  	s8 =	smul.u32 $0x580, s1;
	s9 =	sadd.s32 s10, s9;
	s12 =	sshrl.u32 s12, $0x2  }
0xc: {  	s10 =	ssub.s32 s5, s31;
	s9 =	sshrl.u32 s9, $0x3;
	s5 =	sadd.s32 s12, s2  }
0xd: {  	s11 =	sadd.s32 s8, s6;
	s9 =	sadd.s32 s9, s6;
	s7 =	sadd.s32 s7, s8  }
0xe: {  	s12 =	sadd.s32 $0x6000, s5;
	s13 =	sadd.s32 $0x8000, s5;
	s14 =	sadd.s32 $0xA000, s5  }
0xf: {  	s15 =	sadd.s32 $0xC000, s5;
	s16 =	sadd.s32 $0xE000, s5;
	s17 =	sadd.s32 $0x10000, s5  }
0x10: {  	s18 =	sadd.s32 $0x12000, s5;
	s6 =	sadd.s32 $0x2800, s11;
	s8 =	sadd.s32 $0x35800, s9  }
0x11: {  	v0 =	vimm.f32 $0.0e+00;
	s9 =	smax.u32 s10, $0x1;
	s10 =	sadd.s32 $0x2000, s5;
	s11 =	sadd.s32 $0x4000, s5  }
.LBB2_1:
0x12: {  	s28 =	sand.u32 $0x7E00, s3  }
0x13: {  	s29 =	sand.u32 $0x70, s3;
	s30 =	sshrl.u32 s28, $0x2  }
0x14: {  	s28 =	simm.s32 $0x40;
	s30 =	sor.u32 s29, s30;
	s29 =	simm.s32 $0x0  }
.LBB2_2:
0x15: {  	p0 =	sne.s32 s28, $0x7FC0  }
0x16: {  	[tilespmem:s30+$0x19800] =	vst v0;
	s29 =	sadd.s32 $0x10, s29;
	s30 =	smov.u32 s28;
	s28 =	sadd.s32 $0x40, s28  }
.Ltmp0:
0x17: {  	(pc) =	sbr.rel @p0 .LBB2_2-.Ltmp0, $4  }
0x18: {  	_ = 	snop  }
0x19: {  	s30 =	sand.u32 $0x7E00, s30  }
0x1a: {  	s31 =	sand.u32 $0x70, s29;
	s30 =	sshrl.u32 s30, $0x2  }
0x1b: {  	s30 =	sor.u32 s31, s30  }
0x1c: {  	[tilespmem:s30+$0x19800] =	vst v0  }
0x1d: {  	[spmem:s5] =	stream.linear.scatter [tilespmem:s19], [sflag:$0x2], $0x2000, $0x38;
	[tilespmem:$0x1F800] =	vst v63  }
0x1e: {  	_ =	swait.ge [sflag:s20], $0x2000  }
0x1f: {  	[sflag:s20] =	ssyncset.done $0x0  }
0x20: {  	[sflag:s20] =	ssyncadd.s32 $0xFFFFE000  }
0x21: {  	[spmem:s10] =	stream.linear.scatter [tilespmem:s19], [sflag:$0x2], $0x2000, $0x38;
	[tilespmem:$0x1F800] =	vst v63  }
0x22: {  	_ =	swait.ge [sflag:s20], $0x2000  }
0x23: {  	[sflag:s20] =	ssyncset.done $0x0  }
0x24: {  	[sflag:s20] =	ssyncadd.s32 $0xFFFFE000  }
0x25: {  	[spmem:s11] =	stream.linear.scatter [tilespmem:s19], [sflag:$0x2], $0x2000, $0x38;
	[tilespmem:$0x1F800] =	vst v63  }
0x26: {  	_ =	swait.ge [sflag:s20], $0x2000  }
0x27: {  	[sflag:s20] =	ssyncset.done $0x0  }
0x28: {  	[sflag:s20] =	ssyncadd.s32 $0xFFFFE000  }
0x29: {  	[spmem:s12] =	stream.linear.scatter [tilespmem:s19], [sflag:$0x2], $0x2000, $0x38;
	[tilespmem:$0x1F800] =	vst v63  }
0x2a: {  	_ =	swait.ge [sflag:s20], $0x2000  }
0x2b: {  	[sflag:s20] =	ssyncset.done $0x0  }
0x2c: {  	[sflag:s20] =	ssyncadd.s32 $0xFFFFE000  }
0x2d: {  	[spmem:s13] =	stream.linear.scatter [tilespmem:s19], [sflag:$0x2], $0x2000, $0x38;
	[tilespmem:$0x1F800] =	vst v63  }
0x2e: {  	_ =	swait.ge [sflag:s20], $0x2000  }
0x2f: {  	[sflag:s20] =	ssyncset.done $0x0  }
0x30: {  	[sflag:s20] =	ssyncadd.s32 $0xFFFFE000  }
0x31: {  	[spmem:s14] =	stream.linear.scatter [tilespmem:s19], [sflag:$0x2], $0x2000, $0x38;
	[tilespmem:$0x1F800] =	vst v63  }
0x32: {  	_ =	swait.ge [sflag:s20], $0x2000  }
0x33: {  	[sflag:s20] =	ssyncset.done $0x0  }
0x34: {  	[sflag:s20] =	ssyncadd.s32 $0xFFFFE000  }
0x35: {  	[spmem:s15] =	stream.linear.scatter [tilespmem:s19], [sflag:$0x2], $0x2000, $0x38;
	[tilespmem:$0x1F800] =	vst v63  }
0x36: {  	_ =	swait.ge [sflag:s20], $0x2000  }
0x37: {  	[sflag:s20] =	ssyncset.done $0x0  }
0x38: {  	[sflag:s20] =	ssyncadd.s32 $0xFFFFE000  }
0x39: {  	[spmem:s16] =	stream.linear.scatter [tilespmem:s19], [sflag:$0x2], $0x2000, $0x38;
	[tilespmem:$0x1F800] =	vst v63  }
0x3a: {  	_ =	swait.ge [sflag:s20], $0x2000  }
0x3b: {  	[sflag:s20] =	ssyncset.done $0x0  }
0x3c: {  	[sflag:s20] =	ssyncadd.s32 $0xFFFFE000  }
0x3d: {  	[spmem:s17] =	stream.linear.scatter [tilespmem:s19], [sflag:$0x2], $0x2000, $0x38;
	[tilespmem:$0x1F800] =	vst v63  }
0x3e: {  	_ =	swait.ge [sflag:s20], $0x2000  }
0x3f: {  	[sflag:s20] =	ssyncset.done $0x0  }
0x40: {  	[sflag:s20] =	ssyncadd.s32 $0xFFFFE000  }
0x41: {  	[spmem:s18] =	stream.linear.scatter [tilespmem:s19], [sflag:$0x2], $0x2000, $0x38;
	[tilespmem:$0x1F800] =	vst v63  }
0x42: {  	_ =	swait.ge [sflag:s20], $0x2000  }
0x43: {  	[sflag:s20] =	ssyncset.done $0x0  }
0x44: {  	[sflag:s20] =	ssyncadd.s32 $0xFFFFE000  }
0x45: {  	s28 =	simm.s32 $0x0;
	[bflag:$0x0] =	sbarrier.arrive $0xFFFF  }
0x46: {  	[tilespmem:s21], [sflag:$0x2] =	stream.linear.gather [hbm4b:s6+s28], $0x2880, $0x38;
	[tilespmem:$0x1F800] =	vst v63  }
0x47: {  	_ =	swait.ge [sflag:s20], $0x2880  }
0x48: {  	[sflag:s20] =	ssyncset.done $0x0  }
0x49: {  	[sflag:s20] =	ssyncadd.s32 $0xFFFFD780  }
0x4a: {  	[tilespmem:s22], [sflag:$0x2] =	stream.linear.gather [hbm4b:s7+s28], $0x2880, $0x38;
	[tilespmem:$0x1F800] =	vst v63  }
0x4b: {  	_ =	swait.ge [sflag:s20], $0x2880  }
0x4c: {  	[sflag:s20] =	ssyncset.done $0x0  }
0x4d: {  	s28 =	simm.s32 $0x14000;
	[sflag:s20] =	ssyncadd.s32 $0xFFFFD780  }
0x4e: {  	[tilespmem:s24], [sflag:$0x1] =	stream.indirect.gather [hbm4b:s4+s23], $0x80, s28, s23, $0xb8;
	[tilespmem:$0x1F800] =	vst v63  }
0x4f: {  	_ =	swait.ge [sflag:s25], $0x4000  }
0x50: {  	[sflag:s25] =	ssyncset.done $0x0  }
0x51: {  	s28 =	simm.s32 $0x16C00;
	[sflag:s25] =	ssyncadd.s32 $0xFFFFC000  }
0x52: {  	[spmem:s2] =	stream.indirect.scatter.add.f32 [tilespmem:s24], [sflag:$0x2], $0x80, s28, s23, $0xb8;
	[tilespmem:$0x1F800] =	vst v63  }
0x53: {  	_ =	swait.ge [sflag:s20], $0x4000  }
0x54: {  	s29 =	simm.s32 $0x400;
	s28 =	simm.s32 $0x80;
	[sflag:s20] =	ssyncset.done $0x0  }
.LBB2_4:
0x55: {  	s30 =	sadd.s32 $0x14000, s28  }
0x56: {  	[sflag:s20] =	ssyncadd.s32 $0xFFFFC000;
	s31 =	smov.u32 s29;
	s1 =	sadd.s32 $0x200, s29  }
0x57: {  	[tilespmem:s24], [sflag:$0x1] =	stream.indirect.gather [hbm4b:s4+s23], $0x80, s30, s23, $0xb8;
	[tilespmem:$0x1F800] =	vst v63  }
0x58: {  	p0 =	sne.s32 s29, $0xA000;
	_ =	swait.ge [sflag:s25], $0x4000  }
.Ltmp1:
0x59: {  	[sflag:s25] =	ssyncset.done $0x0;
	(pc) =	sbr.rel @p0 .LBB2_4-.Ltmp1, $4  }
0x5a: {  	s28 =	sadd.s32 $0x16C00, s28;
	[sflag:s25] =	ssyncadd.s32 $0xFFFFC000  }
0x5b: {  	[spmem:s2] =	stream.indirect.scatter.add.f32 [tilespmem:s24], [sflag:$0x2], $0x80, s28, s23, $0xb8;
	[tilespmem:$0x1F800] =	vst v63  }
0x5c: {  	_ =	swait.ge [sflag:s20], $0x4000  }
0x5d: {  	s29 =	smov.u32 s1;
	s28 =	sshra.s32 s31, $0x2;
	[sflag:s20] =	ssyncset.done $0x0  }
0x5e: {  	s1 =	sadd.s32 $0x14000, s28;
	[sflag:s20] =	ssyncadd.s32 $0xFFFFC000  }
0x5f: {  	[tilespmem:s24], [sflag:$0x1] =	stream.indirect.gather [hbm4b:s4+s23], $0x80, s1, s23, $0xb8;
	[tilespmem:$0x1F800] =	vst v63  }
0x60: {  	_ =	swait.ge [sflag:s25], $0x4000  }
0x61: {  	[sflag:s25] =	ssyncset.done $0x0  }
0x62: {  	s29 =	sadd.s32 $0x16C00, s28;
	[sflag:s25] =	ssyncadd.s32 $0xFFFFC000  }
0x63: {  	[spmem:s2] =	stream.indirect.scatter.add.f32 [tilespmem:s24], [sflag:$0x2], $0x80, s29, s23, $0xb8;
	[tilespmem:$0x1F800] =	vst v63  }
0x64: {  	_ =	swait.ge [sflag:s20], $0x4000  }
0x65: {  	s30 =	sshll.u32 s0, $0x6;
	s26 =	sadd.s32 $0x1, s26;
	[sflag:s20] =	ssyncset.done $0x0  }
0x66: {  	s31 =	sshrl.u32 s5, $0x3;
	p0 =	sne.s32 s26, s9;
	[sflag:s20] =	ssyncadd.s32 $0xFFFFC000  }
.Ltmp2:
0x67: {  	s1 =	sor.u32 $0x1C02, s30;
	[bflag:$0x0] =	sbarrier.arrive $0xFFFF;
	(pc) =	sbr.rel @p0 .LBB2_1-.Ltmp2, $4  }
0x68: {  	[hbm:s8], [sflag:s1] =	dma.local [spmem:s31], $0x2800  }
0x69: {  	_ =	swait.ge [sflag:s20], $0x2800  }
0x6a: {  	[sflag:s20] =	ssyncset.done $0x0  }
0x6b: {  	[sflag:s20] =	ssyncadd.s32 $0xFFFFD800  }
0x6c: {  	_ =	sfence.sel $0x180000  }
0x6d: {  	[bflag:$0x0] =	sbarrier.arrive $0xFFFF  }
0x6e: {  	_ =	strace $0x9000004D  }
0x6f: {  	[bflag:$0x2] =	sbarrier.arrive $0xFFFF  }
0x70: {  	p0 =	sne.s32 s0, $0x0;
	s0 =	rddreg [dreg:$0x3]  }
0x71: {  	s0 =	sadd.s32 @!p0 $0x100000, s0  }
0x72: {  	[sflag:s0] =	ssyncadd.tile.s32 @!p0 $0x1;
	_ =	shalt  }
.Lfunc_end2:
_tile_overlayer_lowered:
.L_overlay_start_2:
0x73: {  	(tag) =	ssettag $0x2  }
0x74: {  	s0 =	rddreg [dreg:$0x0];
	s2 =	stileid.u32  }
0x75: {  	s1 =	rddreg [dreg:$0x1];
	p0 =	sne.s32 s2, $0x0  }
0x76: {  	s3 =	rddreg [dreg:$0x2];
	[bflag:$0x3] =	sbarrier.arrive $0xFFFF;
	s2 =	simm.s32 @!p0 $0x1C02  }
0x77: {  	[timem:s3], [sflag:s2] =	dma.local @!p0 [hbm:s0], s1  }
0x78: {  	s0 =	simm.s32 @!p0 $0x2  }
0x79: {  	_ =	swait.ge @!p0 [sflag:s0], s1  }
0x7a: {  	s1 =	ssub.s32 @!p0 $0x0, s1;
	[sflag:s0] =	ssyncset.done @!p0 $0x0  }
0x7b: {  	[sflag:s0] =	ssyncadd.s32 @!p0 s1  }
0x7c: {  	[bflag:$0x3] =	sbarrier.arrive $0xFFFF  }
0x7d: {  	_ =	shalt  }

// kernel: kernel.8.cloned.1.call-start
scs
__scs_entry_jumppad:
0x0: {  	(pc) =	sbr.rel $0x88, $3  }
0x1: {  	(tag) =	ssettag $0x0;
	lr =	simm.s32 $0x1  }
0x2: {  	[smem:$0x3F9B] =	sst lr;
	_ =	strace $0xD0000000  }
0x3: {  	_ = 	snop  }
0x4: {  	_ = 	snop  }
0x5: {  	_ = 	snop  }
0x6: {  	_ = 	snop  }
0x7: {  	_ = 	snop  }
__scs_overlays_trampoline_lowered:
0x8: {  	[smem:$0x3FAA] =	sst s0  }
0x9: {  	[smem:$0x3FAB] =	sst s1  }
0xa: {  	[smem:$0x3FAC] =	sst s2  }
0xb: {  	[smem:$0x3FAD] =	sst s3  }
0xc: {  	[smem:$0x3FAE] =	sst s4  }
0xd: {  	[smem:$0x3FAF] =	sst s5  }
0xe: {  	[smem:$0x3FB0] =	sst s6  }
0xf: {  	[smem:$0x3FB1] =	sst s7  }
0x10: {  	[smem:$0x3FB2] =	sst s8  }
0x11: {  	[smem:$0x3FB3] =	sst s9;
	s0 =	simm.s32 @!p0 $0x0  }
0x12: {  	s1 =	sld [smem:$0x3F99];
	s0 =	simm.s32 @p0 $0x1  }
0x13: {  	[smem:$0x3FB4] =	sst s0;
	s0 =	simm.s32 @!p1 $0x0  }
0x14: {  	s2 =	sld [smem:$0x3F98];
	s0 =	simm.s32 @p1 $0x1  }
0x15: {  	[smem:$0x3FB5] =	sst s0;
	s0 =	simm.s32 @!p2 $0x0  }
0x16: {  	s3 =	sld [smem:$0x3FDB];
	s0 =	simm.s32 @p2 $0x1  }
0x17: {  	s4 =	simm.s32 $0x1BF5;
	[smem:$0x3FB7] =	sst s0  }
0x18: {  	s0 =	sld [smem:$0x3F9A];
	_ =	swait.ge [sflag:s4], $0x0  }
0x19: {  	s7 =	sld [smem:$0x3F9B]  }
0x1a: {  	s8 =	sadd.s32 $0xFFFFE003, lr  }
0x1b: {  	s9 =	sadd.s32 $0xFFFFFEF7, lr;
	s5 =	simm.s32 $0xFFFFFFFF;
	p2 =	slt.u32 s8, $0xFFFFF086  }
0x1c: {  	p1 =	slt.u32 s9, $0xF7A;
	s5 =	simm.s32 @!p2 $0x0  }
0x1d: {  	s5 =	simm.s32 @p1 $0x1;
	p0 =	seq.s32 s7, s2  }
0x1e: {  	s7 =	smul.u32 @!p0 $0xF7A, s2;
	p2 =	seq.s32 @!p0 s5, $0x0  }
0x1f: {  	s9 =	smul.u32 $0xF7A, s1;
	s8 =	simm.s32 @!p0 $0x1BF5;
	p2 =	por !p2, p0  }
0x20: {  	[sflag:s8] =	ssyncset.s32 @!p0 $0xFFFFF086;
	s6 =	sadd.s32 @!p0 s3, s7;
	s7 =	simm.s32 @!p0 $0x108  }
0x21: {  	s3 =	sadd.s32 s3, s9;
	s6 =	sadd.s32 @!p0 $0x88, s6;
	s7 =	simm.s32 @p2 $0x1082  }
0x22: {  	[simem:s7], [sflag:s8] =	dma.local @!p0 [hbm:s6], $0xF7A  }
0x23: {  	s9 =	sor.u32 $0xD0000000, s2;
	s6 =	simm.s32 $0x108;
	_ =	swait.ge @!p0 [sflag:s8], $0x0  }
0x24: {  	s3 =	sadd.s32 $0x88, s3;
	s6 =	simm.s32 @!p1 $0x1082;
	[sflag:s4] =	ssyncset.s32 $0xFFFFF086  }
0x25: {  	[simem:s6], [sflag:s4] =	dma.local [hbm:s3], $0xF7A  }
0x26: {  	[smem:$0x3F9B] =	sst s1;
	(tag) =	ssettag s2;
	_ =	strace s9  }
0x27: {  	s1 =	sld [smem:$0x3FAB]  }
0x28: {  	s2 =	sld [smem:$0x3FAC]  }
0x29: {  	s4 =	sld [smem:$0x3FAE]  }
0x2a: {  	p0 =	seq.s32 s5, $0x0;
	s5 =	sld [smem:$0x3FAF]  }
0x2b: {  	s6 =	sld [smem:$0x3FB0]  }
0x2c: {  	s7 =	sld [smem:$0x3FB1]  }
0x2d: {  	s3 =	simm.s32 $0x108;
	s8 =	sld [smem:$0x3FB2]  }
0x2e: {  	s3 =	simm.s32 @!p0 $0x1082;
	s9 =	sld [smem:$0x3FB3]  }
0x2f: {  	lr =	sadd.s32 s0, s3;
	s0 =	sld [smem:$0x3FAA]  }
0x30: {  	s3 =	sld [smem:$0x3FAD]  }
0x31: {  	[smem:$0x3FB6] =	sst s10  }
0x32: {  	s10 =	sld [smem:$0x3FB4];
	_ =	sdelay $0x3  }
0x33: {  	p0 =	seq.s32 s10, $0x1;
	s10 =	sld [smem:$0x3FB6];
	_ =	sdelay $0x3  }
0x34: {  	[smem:$0x3FB6] =	sst s10  }
0x35: {  	s10 =	sld [smem:$0x3FB5];
	_ =	sdelay $0x3  }
0x36: {  	p1 =	seq.s32 s10, $0x1;
	s10 =	sld [smem:$0x3FB6];
	_ =	sdelay $0x3  }
0x37: {  	[smem:$0x3FB6] =	sst s10  }
0x38: {  	s10 =	sld [smem:$0x3FB7]  }
0x39: {  	_ = 	snop;
	(pc) =	sbr.ind lr, $3  }
0x3a: {  	_ = 	snop  }
0x3b: {  	_ = 	snop  }
0x3c: {  	p2 =	seq.s32 s10, $0x1;
	s10 =	sld [smem:$0x3FB6]  }
0x3d: {  	_ =	shalt  }
0x3e: {  	_ =	shalt  }
0x3f: {  	_ =	shalt  }
0x40: {  	_ =	shalt  }
0x41: {  	_ =	shalt  }
0x42: {  	_ =	shalt  }
0x43: {  	_ =	shalt  }
0x44: {  	_ =	shalt  }
0x45: {  	_ =	shalt  }
0x46: {  	_ =	shalt  }
0x47: {  	_ =	shalt  }
0x48: {  	_ =	shalt  }
0x49: {  	_ =	shalt  }
0x4a: {  	_ =	shalt  }
0x4b: {  	_ =	shalt  }
0x4c: {  	_ =	shalt  }
0x4d: {  	_ =	shalt  }
0x4e: {  	_ =	shalt  }
0x4f: {  	_ =	shalt  }
0x50: {  	_ =	shalt  }
0x51: {  	_ =	shalt  }
0x52: {  	_ =	shalt  }
0x53: {  	_ =	shalt  }
0x54: {  	_ =	shalt  }
0x55: {  	_ =	shalt  }
0x56: {  	_ =	shalt  }
0x57: {  	_ =	shalt  }
0x58: {  	_ =	shalt  }
0x59: {  	_ =	shalt  }
0x5a: {  	_ =	shalt  }
0x5b: {  	_ =	shalt  }
0x5c: {  	_ =	shalt  }
0x5d: {  	_ =	shalt  }
0x5e: {  	_ =	shalt  }
0x5f: {  	_ =	shalt  }
0x60: {  	_ =	shalt  }
0x61: {  	_ =	shalt  }
0x62: {  	_ =	shalt  }
0x63: {  	_ =	shalt  }
0x64: {  	_ =	shalt  }
0x65: {  	_ =	shalt  }
0x66: {  	_ =	shalt  }
0x67: {  	_ =	shalt  }
0x68: {  	_ =	shalt  }
0x69: {  	_ =	shalt  }
0x6a: {  	_ =	shalt  }
0x6b: {  	_ =	shalt  }
0x6c: {  	_ =	shalt  }
0x6d: {  	_ =	shalt  }
0x6e: {  	_ =	shalt  }
0x6f: {  	_ =	shalt  }
0x70: {  	_ =	shalt  }
0x71: {  	_ =	shalt  }
0x72: {  	_ =	shalt  }
0x73: {  	_ =	shalt  }
0x74: {  	_ =	shalt  }
0x75: {  	_ =	shalt  }
0x76: {  	_ =	shalt  }
0x77: {  	_ =	shalt  }
0x78: {  	_ =	shalt  }
0x79: {  	_ =	shalt  }
0x7a: {  	_ =	shalt  }
0x7b: {  	_ =	shalt  }
0x7c: {  	_ =	shalt  }
0x7d: {  	_ =	shalt  }
0x7e: {  	_ =	shalt  }
0x7f: {  	_ =	shalt  }
0x80: {  	_ =	shalt  }
0x81: {  	_ =	shalt  }
0x82: {  	_ =	shalt  }
0x83: {  	_ =	shalt  }
0x84: {  	_ =	shalt  }
0x85: {  	_ =	shalt  }
0x86: {  	_ =	shalt  }
0x87: {  	_ =	shalt  }
.Lfunc_end0:
.L_simem_size_0:
called_computation_lowered:
.L_overlay_start_0:
0x88: {  	s2 =	sld [smem:$0x3FD9]  }
0x89: {  	s3 =	sld [smem:$0x3FFE];
	_ =	sdelay $0x1  }
0x8a: {  	s1 =	srdreg.scid  }
0x8b: {  	s0 =	sand.u32 $0x1, s1  }
0x8c: {  	s17 =	sshll.u32 s0, $0xA;
	s2 =	sadd.s32 s3, s2  }
0x8d: {  	s2 =	sadd.s32 s2, s17  }
0x8e: {  	[smem:$0x3FC2] =	sst s2  }
0x8f: {  	_ = 	snop  }
0x90: {  	s2 =	sld [smem:$0x3FD0];
	(tm) =	ssettm $0x1  }
0x91: {  	s18 =	sld [smem:$0x3FFB];
	_ =	sdelay $0x3  }
0x92: {  	_ =	strace s18  }
0x93: {  	s3 =	sld [smem:$0x3FFC];
	_ =	sdelay $0x3  }
0x94: {  	_ =	strace s3  }
0x95: {  	s3 =	sld [smem:$0x3FFD];
	_ =	sdelay $0x3  }
0x96: {  	_ =	strace s3  }
0x97: {  	_ =	strace $0x8FFFFFFF  }
0x98: {  	s19 =	sld [smem:$0x3FDB];
	_ =	sdelay $0x1  }
0x99: {  	s4 =	simm.s32 $_scs_section_size  }
0x9a: {  	s5 =	simm.s32 $_size__tile_overlayer_lowered;
	s6 =	simm.s32 $_tile_overlayer_lowered  }
0x9b: {  	s22 =	simm.s32 $0x1BFF;
	s21 =	sshll.u32 s6, $0x1;
	s3 =	sadd.s32 s4, s19  }
0x9c: {  	s7 =	simm.s32 $0x0;
	s20 =	sshll.u32 s5, $0x1;
	s5 =	sadd.s32 s21, s3  }
0x9d: {  	[timem:s7], [sflag:s22] =	dma.local [hbm:s5], s20  }
0x9e: {  	_ =	swait.ge [sflag:s22], s20  }
0x9f: {  	s4 =	ssub.s32 $0x0, s20;
	[sflag:s22] =	ssyncset.done $0x0  }
0xa0: {  	[sflag:s22] =	ssyncadd.s32 s4;
	_ =	sdelay $0x1  }
0xa1: {  	s23 =	simm.s32 $0x1B8B  }
0xa2: {  	_ =	swait.ge [sflag:s23], $0x1  }
0xa3: {  	[sflag:s23] =	ssyncset.done $0x0  }
0xa4: {  	s25 =	simm.s32 $0x1B8E;
	s24 =	sld [smem:$0x3FFE];
	[sflag:s23] =	ssyncadd.s32 $0xFFFFFFFF  }
0xa5: {  	s26 =	simm.s32 $execute0_lowered;
	[smem:$0x3FD2] =	sst s25  }
0xa6: {  	s5 =	sshll.u32 s26, $0x1;
	_ =	strace $0x80000046;
	[dreg:$0x1] =	wrdreg $0xFFFFFFFF  }
0xa7: {  	s28 =	simm.s32 $_size_execute0_lowered;
	s3 =	sadd.s32 s3, s5;
	[dreg:$0x0] =	wrdreg $0x0  }
0xa8: {  	s5 =	sshll.u32 s28, $0x1;
	[dreg:$0x2] =	wrdreg s3  }
0xa9: {  	[dreg:$0x3] =	wrdreg s5  }
0xaa: {  	[dreg:$0x4] =	wrdreg $0xC0  }
0xab: {  	_ =	task [dreg:s7], $0x5FFFF  }
0xac: {  	[dreg:$0x1] =	wrdreg $0xFFFFFFFF  }
0xad: {  	[dreg:$0x0] =	wrdreg $0x60  }
0xae: {  	[dreg:$0x2] =	wrdreg s2  }
0xaf: {  	[dreg:$0x3] =	wrdreg s24  }
0xb0: {  	[dreg:$0x4] =	wrdreg $0x0  }
0xb1: {  	[dreg:$0x5] =	wrdreg $0x9  }
0xb2: {  	_ =	task.clear_ibuf [dreg:s7], $0x6FFFF;
	_ =	strace $0x90000046  }
0xb3: {  	s29 =	simm.s32 $0x9;
	_ =	strace $0x80000048  }
0xb4: {  	_ =	swait.ge [sflag:s29], $0x1  }
0xb5: {  	[sflag:s29] =	ssyncadd.s32 $0xFFFFFFFF  }
0xb6: {  	_ =	strace $0x90000048  }
0xb7: {  	_ =	sfence  }
0xb8: {  	s30 =	sld [smem:$0x0];
	_ =	sdelay $0x2  }
0xb9: {  	s31 =	sshll.u32 s1, $0xD;
	s1 =	sshrl.u32 s1, $0x2  }
0xba: {  	s3 =	sand.u32 $0x4000, s31;
	s1 =	sadd.s32 s1, s30  }
0xbb: {  	s0 =	sor.u32 s3, s0;
	s1 =	sshll.u32 s1, $0x11  }
0xbc: {  	s0 =	sor.u32 s1, s0  }
0xbd: {  	s0 =	sadd.s32 $0x8F2B, s0  }
0xbe: {  	[sflag:s0] =	ssyncadd.remote.s32 $0x1  }
0xbf: {  	_ =	sfence.sel $0xFFFF  }
0xc0: {  	[dreg:$0x0] =	wrdreg $0xFFFFFFFF;
	(pc) =	sbr.abs _section_cstart, $3  }
0xc1: {  	[dreg:$0x1] =	wrdreg $0xFFFFFFFF  }
0xc2: {  	_ =	task.clear_ibuf [dreg:s7], $0x2FFFF;
	_ =	strace $0x9FFFFFFF  }
0xc3: {  	(tm) =	ssettm $0x7FFFFFFF  }
tec
execute0_lowered:
.L_overlay_start_1:
0x0: {  	(tag) =	ssettag $0x1  }
0x1: {  	s3 =	rddreg [dreg:$0x0]  }
0x2: {  	s4 =	rddreg [dreg:$0x1];
	s1 =	srdreg.scid  }
0x3: {  	s0 =	stileid.u32;
	s5 =	rddreg [dreg:$0x2]  }
0x4: {  	s2 =	simm.s32 $0x0;
	s11 =	simm.s32 $0x80;
	s12 =	simm.s32 $0x400  }
0x5: {  	s13 =	simm.s32 $0x1400;
	s14 =	simm.s32 $0x14000;
	s15 =	simm.s32 $0x7C00  }
0x6: {  	s16 =	simm.s32 $0x100;
	s6 =	sand.u32 $0x1, s1;
	s1 =	rddreg [dreg:$0x3]  }
0x7: {  	s17 =	simm.s32 $0x0;
	s7 =	smul.u32 $0x500, s0;
	[smem:$0x7FF] =	sst s2  }
0x8: {  	s29 =	sshrl.u32 s0, $0x3;
	s31 =	smul.u32 $0x5000, s0;
	s10 =	sshll.u32 s0, $0x7  }
0x9: {  	s8 =	sshll.u32 s6, $0x7;
	_ =	strace $0x80000047;
	s28 =	ssub.s32 $0x2, s6  }
0xa: {  	s6 =	sshll.u32 s6, $0x4;
	s10 =	sand.u32 $0x380, s10;
	s7 =	sor.u32 s8, s7  }
0xb: {  	s9 =	sshrl.u32 s28, $0x1;
	s8 =	smul.u32 $0x50000, s29;
	s30 =	sor.u32 s0, s6  }
0xc: {  	s6 =	sshrl.u32 s31, $0x2;
	s7 =	sshrl.u32 s7, $0x3;
	s9 =	ssub.s32 s28, s9  }
0xd: {  	s7 =	sadd.s32 s7, s4;
	s4 =	smul.u32 $0x580, s30;
	s8 =	sshrl.u32 s8, $0x2  }
0xe: {  	s8 =	sadd.s32 s8, s5;
	s5 =	sadd.s32 s6, s5;
	s6 =	sadd.s32 $0x1E00, s7  }
0xf: {  	s7 =	smax.u32 s9, $0x1;
	s9 =	simm.s32 $0x1;
	s3 =	sadd.s32 s3, s4  }
0x10: {  	v0 =	vimm.f32 $0.0e+00;
	v1 =	vimm.f32 $1.000000000e+00;
	s4 =	sadd.s32 s10, s8;
	s8 =	simm.s32 $0x2800;
	s10 =	simm.s32 $0x5400  }
.LBB2_1:
0x11: {  	s18 =	simm.s32 $0x40;
	s19 =	simm.s32 $0x0  }
.LBB2_2:
0x12: {  	p0 =	sne.s32 s18, $0x9FC0;
	[tilespmem:s19+$0x5400] =	vst v0;
	s19 =	smov.u32 s18;
	s18 =	sadd.s32 $0x40, s18  }
.Ltmp0:
0x13: {  	(pc) =	sbr.rel @p0 .LBB2_2-.Ltmp0, $2  }
0x14: {  	_ =	sdelay $0x2  }
0x15: {  	s19 =	sshra.s32 s19, $0x2  }
0x16: {  	[tilespmem:s19+$0x5400] =	vst v0  }
0x17: {  	[tilespmem:s8], [sflag:$0x1] =	stream.linear.gather [hbm4b:s3+s2], $0x2880, $0x38;
	[tilespmem:$0xA400] =	vst v63  }
0x18: {  	_ =	swait.ge [sflag:s9], $0x2880  }
0x19: {  	[sflag:s9] =	ssyncset.done $0x0  }
0x1a: {  	s18 =	simm.s32 $0x1C0;
	[sflag:s9] =	ssyncadd.s32 $0xFFFFD780  }
.LBB2_4:
0x1b: {  	s19 =	sshra.s32 s18, $0x2  }
0x1c: {  	v2 =	vld [tilespmem:s19+$0x2790];
	_ =	sdelay $0x7  }
0x1d: {  	[tilespmem:v2+s10+$0x0] =	vst.idx.add.f32.msk $0xffff, v1  }
0x1e: {  	v2 =	vld [tilespmem:s19+$0x27A0];
	_ =	sdelay $0x7  }
0x1f: {  	[tilespmem:v2+s10+$0x0] =	vst.idx.add.f32.msk $0xffff, v1  }
0x20: {  	v2 =	vld [tilespmem:s19+$0x27B0];
	_ =	sdelay $0x7  }
0x21: {  	[tilespmem:v2+s10+$0x0] =	vst.idx.add.f32.msk $0xffff, v1  }
0x22: {  	v2 =	vld [tilespmem:s19+$0x27C0];
	_ =	sdelay $0x7  }
0x23: {  	[tilespmem:v2+s10+$0x0] =	vst.idx.add.f32.msk $0xffff, v1  }
0x24: {  	v2 =	vld [tilespmem:s19+$0x27D0];
	_ =	sdelay $0x7  }
0x25: {  	[tilespmem:v2+s10+$0x0] =	vst.idx.add.f32.msk $0xffff, v1  }
0x26: {  	v2 =	vld [tilespmem:s19+$0x27E0];
	_ =	sdelay $0x7  }
0x27: {  	[tilespmem:v2+s10+$0x0] =	vst.idx.add.f32.msk $0xffff, v1  }
0x28: {  	v2 =	vld [tilespmem:s19+$0x27F0];
	_ =	sdelay $0x7  }
0x29: {  	[tilespmem:v2+s10+$0x0] =	vst.idx.add.f32.msk $0xffff, v1  }
0x2a: {  	v2 =	vld [tilespmem:s19+$0x2800];
	_ =	sdelay $0x2  }
0x2b: {  	p0 =	sne.s32 s18, $0xA1C0  }
.Ltmp1:
0x2c: {  	_ = 	snop;
	(pc) =	sbr.rel @p0 .LBB2_4-.Ltmp1, $2  }
0x2d: {  	_ =	sdelay $0x2  }
0x2e: {  	s18 =	sadd.s32 $0x200, s18;
	[tilespmem:v2+s10+$0x0] =	vst.idx.add.f32.msk $0xffff, v1  }
0x2f: {  	s18 =	simm.s32 $0x5400  }
0x30: {  	[spmem:s4] =	stream.strided.scatter [tilespmem:s18], [sflag:$0x1], $0x2800, s12, s11, $0x38;
	[tilespmem:$0xA400] =	vst v63  }
0x31: {  	_ =	swait.ge [sflag:s9], $0x2800  }
0x32: {  	[sflag:s9] =	ssyncset.done $0x0  }
0x33: {  	[sflag:s9] =	ssyncadd.s32 $0xFFFFD800  }
0x34: {  	[bflag:$0x0] =	sbarrier.arrive $0xFFFF  }
0x35: {  	[tilespmem:s15], [sflag:$0x1] =	stream.strided.gather [spmem:s5], $0x2800, s14, s13, $0x38;
	[tilespmem:$0xA400] =	vst v63  }
0x36: {  	s19 =	simm.s32 $0x0;
	_ =	swait.ge [sflag:s9], $0x2800  }
0x37: {  	s20 =	sand.u32 $0x70, s19;
	s19 =	sand.u32 $0x1C00, s19;
	[sflag:s9] =	ssyncset.done $0x0  }
0x38: {  	s19 =	sor.u32 s20, s19;
	[sflag:s9] =	ssyncadd.s32 $0xFFFFD800  }
0x39: {  	v2 =	vld [tilespmem:s19+$0x7C00];
	_ =	sdelay $0x1  }
0x3a: {  	v3 =	vld [tilespmem:s19+$0x7C80];
	_ =	sdelay $0x1  }
0x3b: {  	v4 =	vld [tilespmem:s19+$0x7D00]  }
0x3c: {  	v2 =	vadd.f32 $0.0e+00, v2  }
0x3d: {  	v5 =	vld [tilespmem:s19+$0x7D80]  }
0x3e: {  	v2 =	vadd.f32 v3, v2  }
0x3f: {  	v3 =	vld [tilespmem:s19+$0x7E00]  }
0x40: {  	v2 =	vadd.f32 v4, v2  }
0x41: {  	v56 =	vld [tilespmem:s19+$0x7E80]  }
0x42: {  	v2 =	vadd.f32 v5, v2  }
0x43: {  	v57 =	vld [tilespmem:s19+$0x7F00]  }
0x44: {  	v2 =	vadd.f32 v3, v2  }
0x45: {  	v3 =	vld [tilespmem:s19+$0x7F80]  }
0x46: {  	v2 =	vadd.f32 v56, v2  }
0x47: {  	v58 =	vld [tilespmem:s19+$0x9000]  }
0x48: {  	v2 =	vadd.f32 v57, v2  }
0x49: {  	v59 =	vld [tilespmem:s19+$0x9080]  }
0x4a: {  	v2 =	vadd.f32 v3, v2  }
0x4b: {  	v3 =	vld [tilespmem:s19+$0x9100]  }
0x4c: {  	v2 =	vadd.f32 v58, v2  }
0x4d: {  	v60 =	vld [tilespmem:s19+$0x9180]  }
0x4e: {  	v2 =	vadd.f32 v59, v2  }
0x4f: {  	v61 =	vld [tilespmem:s19+$0x9200]  }
0x50: {  	v2 =	vadd.f32 v3, v2  }
0x51: {  	v3 =	vld [tilespmem:s19+$0x9280]  }
0x52: {  	v2 =	vadd.f32 v60, v2  }
0x53: {  	v62 =	vld [tilespmem:s19+$0x9300]  }
0x54: {  	v2 =	vadd.f32 v61, v2  }
0x55: {  	v63 =	vld [tilespmem:s19+$0x9380]  }
0x56: {  	v2 =	vadd.f32 v3, v2;
	_ =	sdelay $0x1  }
0x57: {  	v2 =	vadd.f32 v62, v2;
	_ =	sdelay $0x1  }
0x58: {  	s31 =	simm.s32 $0x10;
	s19 =	simm.s32 $0x80;
	v2 =	vadd.f32 v63, v2  }
0x59: {  	s21 =	sand.u32 $0x70, s31;
	s20 =	simm.s32 $0x20;
	s22 =	sand.u32 $0x1C00, s19  }
.LBB2_6:
0x5a: {  	p0 =	sne.s32 s20, $0x270;
	s21 =	sor.u32 s21, s22;
	[tilespmem:s18+$0x0] =	vst v2  }
0x5b: {  	v2 =	vld [tilespmem:s21+$0x7C00];
	_ =	sdelay $0x1  }
0x5c: {  	v3 =	vld [tilespmem:s21+$0x7C80];
	_ =	sdelay $0x1  }
0x5d: {  	v4 =	vld [tilespmem:s21+$0x7D00]  }
0x5e: {  	v2 =	vadd.f32 $0.0e+00, v2  }
0x5f: {  	v5 =	vld [tilespmem:s21+$0x7D80]  }
0x60: {  	v2 =	vadd.f32 v3, v2  }
0x61: {  	v3 =	vld [tilespmem:s21+$0x7E00]  }
0x62: {  	v2 =	vadd.f32 v4, v2  }
0x63: {  	v4 =	vld [tilespmem:s21+$0x7E80]  }
0x64: {  	v2 =	vadd.f32 v5, v2  }
0x65: {  	v5 =	vld [tilespmem:s21+$0x7F00]  }
0x66: {  	v2 =	vadd.f32 v3, v2  }
0x67: {  	v3 =	vld [tilespmem:s21+$0x7F80]  }
0x68: {  	v2 =	vadd.f32 v4, v2  }
0x69: {  	v4 =	vld [tilespmem:s21+$0x9000]  }
0x6a: {  	v2 =	vadd.f32 v5, v2  }
0x6b: {  	v5 =	vld [tilespmem:s21+$0x9080]  }
0x6c: {  	v2 =	vadd.f32 v3, v2  }
0x6d: {  	v3 =	vld [tilespmem:s21+$0x9100]  }
0x6e: {  	v2 =	vadd.f32 v4, v2  }
0x6f: {  	v4 =	vld [tilespmem:s21+$0x9180]  }
0x70: {  	v2 =	vadd.f32 v5, v2  }
0x71: {  	v5 =	vld [tilespmem:s21+$0x9200]  }
0x72: {  	v2 =	vadd.f32 v3, v2  }
0x73: {  	v3 =	vld [tilespmem:s21+$0x9280]  }
0x74: {  	v2 =	vadd.f32 v4, v2  }
0x75: {  	v4 =	vld [tilespmem:s21+$0x9300]  }
0x76: {  	v2 =	vadd.f32 v5, v2  }
0x77: {  	v5 =	vld [tilespmem:s21+$0x9380]  }
0x78: {  	v2 =	vadd.f32 v3, v2  }
.Ltmp2:
0x79: {  	(pc) =	sbr.rel @p0 .LBB2_6-.Ltmp2, $3  }
0x7a: {  	v2 =	vadd.f32 v4, v2;
	_ =	sdelay $0x1  }
0x7b: {  	s19 =	sadd.s32 $0x80, s19;
	s18 =	sadd.s32 $0x10, s18;
	v2 =	vadd.f32 v5, v2  }
0x7c: {  	s22 =	sand.u32 $0x1C00, s19;
	s21 =	sand.u32 $0x70, s20;
	s20 =	sadd.s32 $0x10, s20  }
0x7d: {  	s19 =	sor.u32 s21, s22;
	[tilespmem:s18+$0x0] =	vst v2  }
0x7e: {  	v2 =	vld [tilespmem:s19+$0x7C00];
	_ =	sdelay $0x1  }
0x7f: {  	v3 =	vld [tilespmem:s19+$0x7C80];
	_ =	sdelay $0x1  }
0x80: {  	v4 =	vld [tilespmem:s19+$0x7D00]  }
0x81: {  	v2 =	vadd.f32 $0.0e+00, v2  }
0x82: {  	v5 =	vld [tilespmem:s19+$0x7D80]  }
0x83: {  	v2 =	vadd.f32 v3, v2  }
0x84: {  	v3 =	vld [tilespmem:s19+$0x7E00]  }
0x85: {  	v2 =	vadd.f32 v4, v2  }
0x86: {  	v56 =	vld [tilespmem:s19+$0x7E80]  }
0x87: {  	v2 =	vadd.f32 v5, v2  }
0x88: {  	v57 =	vld [tilespmem:s19+$0x7F00]  }
0x89: {  	v2 =	vadd.f32 v3, v2  }
0x8a: {  	v3 =	vld [tilespmem:s19+$0x7F80]  }
0x8b: {  	v2 =	vadd.f32 v56, v2  }
0x8c: {  	v58 =	vld [tilespmem:s19+$0x9000]  }
0x8d: {  	v2 =	vadd.f32 v57, v2  }
0x8e: {  	v59 =	vld [tilespmem:s19+$0x9080]  }
0x8f: {  	v2 =	vadd.f32 v3, v2  }
0x90: {  	v3 =	vld [tilespmem:s19+$0x9100]  }
0x91: {  	v2 =	vadd.f32 v58, v2  }
0x92: {  	v60 =	vld [tilespmem:s19+$0x9180]  }
0x93: {  	v2 =	vadd.f32 v59, v2  }
0x94: {  	v61 =	vld [tilespmem:s19+$0x9200]  }
0x95: {  	v2 =	vadd.f32 v3, v2  }
0x96: {  	v3 =	vld [tilespmem:s19+$0x9280]  }
0x97: {  	v2 =	vadd.f32 v60, v2  }
0x98: {  	v62 =	vld [tilespmem:s19+$0x9300]  }
0x99: {  	v2 =	vadd.f32 v61, v2  }
0x9a: {  	v63 =	vld [tilespmem:s19+$0x9380]  }
0x9b: {  	v2 =	vadd.f32 v3, v2;
	_ =	sdelay $0x1  }
0x9c: {  	v2 =	vadd.f32 v62, v2;
	_ =	sdelay $0x1  }
0x9d: {  	s17 =	sadd.s32 $0x1, s17;
	v2 =	vadd.f32 v63, v2  }
0x9e: {  	s31 =	sadd.s32 $0x10, s18;
	p0 =	sne.s32 s17, s7  }
.Ltmp3:
0x9f: {  	[tilespmem:s31+$0x0] =	vst v2;
	(pc) =	sbr.rel @p0 .LBB2_1-.Ltmp3, $4  }
0xa0: {  	[hbm4b:s6+s11] =	stream.strided.scatter [tilespmem:s10], [sflag:$0x1], $0x280, s16, s11, $0x38;
	[tilespmem:$0xA400] =	vst v63  }
0xa1: {  	_ =	swait.ge [sflag:s9], $0x280  }
0xa2: {  	[sflag:s9] =	ssyncset.done $0x0  }
0xa3: {  	[sflag:s9] =	ssyncadd.s32 $0xFFFFFD80  }
0xa4: {  	_ =	sfence.sel $0x180000  }
0xa5: {  	[bflag:$0x0] =	sbarrier.arrive $0xFFFF  }
0xa6: {  	p0 =	sne.s32 s0, $0x0;
	_ =	strace $0x90000047  }
0xa7: {  	s0 =	sadd.s32 @!p0 $0x100000, s1;
	[bflag:$0x2] =	sbarrier.arrive $0xFFFF  }
0xa8: {  	[sflag:s0] =	ssyncadd.tile.s32 @!p0 $0x1;
	_ =	shalt  }
.Lfunc_end2:
_tile_overlayer_lowered:
.L_overlay_start_2:
0xa9: {  	(tag) =	ssettag $0x2  }
0xaa: {  	s0 =	rddreg [dreg:$0x0];
	s2 =	stileid.u32  }
0xab: {  	s1 =	rddreg [dreg:$0x1];
	p0 =	sne.s32 s2, $0x0  }
0xac: {  	s3 =	rddreg [dreg:$0x2];
	[bflag:$0x3] =	sbarrier.arrive $0xFFFF;
	s2 =	simm.s32 @!p0 $0x1C01  }
0xad: {  	[timem:s3], [sflag:s2] =	dma.local @!p0 [hbm:s0], s1  }
0xae: {  	s0 =	simm.s32 @!p0 $0x1  }
0xaf: {  	_ =	swait.ge @!p0 [sflag:s0], s1  }
0xb0: {  	s1 =	ssub.s32 @!p0 $0x0, s1;
	[sflag:s0] =	ssyncset.done @!p0 $0x0  }
0xb1: {  	[sflag:s0] =	ssyncadd.s32 @!p0 s1  }
0xb2: {  	[bflag:$0x3] =	sbarrier.arrive $0xFFFF  }
0xb3: {  	_ =	shalt  }

</sc_bundles>
